<compile_context>
chip_gen: v7x
topology: tpu7x:2x2x1
jax: 0.10.2.dev20260603
libtpu: 0.0.44.dev20260713+nightly
codegen_flags: <defaults>
</compile_context>

<pallas_src>
import functools

import jax
import jax.numpy as jnp
from jax import lax
from jax.experimental import pallas as pl
from jax.experimental.pallas import tpu as pltpu
from jax.experimental.pallas import tpu_sc as plsc

R = 128
N = 32768
K = 3276
L = 16
NV = N // L
NW = 32
ROWS_PER_W = R // NW

_SQRT_MAGIC = 0x1FBD1DF5


def _sc_body(x_hbm, out_hbm, row_v, cand_v, cand2_v, hist_v, counts_s):
    c = lax.axis_index("c")
    s = lax.axis_index("s")
    wid = s * 2 + c
    lanes = lax.iota(jnp.int32, L)
    ones_i = jnp.ones((L,), jnp.int32)

    def zero_hist(i, carry):
        hist_v[pl.ds(i * L, L)] = jnp.zeros((L,), jnp.int32)
        return carry

    def lane_reduce(d, carry):
        counts_s[d] = jnp.sum(hist_v[pl.ds(d * L, L)])
        return carry

    def scan_hist(t, carry):
        cum, dsel, above, found, rank = carry
        d = jnp.int32(255) - t
        cd = counts_s[d]
        newcum = cum + cd
        cross = jnp.logical_and(jnp.logical_not(found), newcum >= rank)
        dsel = jnp.where(cross, d, dsel)
        above = jnp.where(cross, cum, above)
        found = jnp.logical_or(found, cross)
        return (newcum, dsel, above, found, rank)

    def find_digit(rank):
        lax.fori_loop(0, 256, lane_reduce, 0)
        _, dsel, above, _, _ = lax.fori_loop(
            0, 256, scan_hist,
            (jnp.int32(0), jnp.int32(0), jnp.int32(0), False, rank))
        return dsel, above

    def do_row(j, carry):
        row = wid * ROWS_PER_W + j
        pltpu.sync_copy(x_hbm.at[row], row_v)

        lax.fori_loop(0, 256, zero_hist, 0)

        def p1(i, carry):
            v = row_v[pl.ds(i * L, L)]
            b = plsc.bitcast(jnp.abs(v), jnp.int32)
            d = lax.shift_right_logical(b, 23)
            idx = (d << 4) | lanes
            plsc.addupdate_scatter(hist_v, [idx], ones_i)
            return carry

        lax.fori_loop(0, NV, p1, 0)
        d1, a1 = find_digit(jnp.int32(K))
        r1 = jnp.int32(K) - a1

        hi = (d1 + jnp.int32(1)) << 23

        def cpc(i, carry):
            off, ss = carry
            v = row_v[pl.ds(i * L, L)]
            a = jnp.abs(v)
            b = plsc.bitcast(a, jnp.int32)
            ss = ss + jnp.where(b >= hi, a * a, jnp.float32(0.0))
            m = lax.shift_right_logical(b, 23) == d1
            pos = plsc.cumsum(jnp.where(m, jnp.int32(1), jnp.int32(0)))
            plsc.store_scatter(cand_v, [off + pos - 1], a, mask=m)
            return (off + plsc.all_reduce_population_count(m), ss)

        n_cand_vec, ss_vec = lax.fori_loop(
            0, NV, cpc,
            (jnp.zeros((L,), jnp.int32), jnp.zeros((L,), jnp.float32)))
        n_cand = jnp.max(n_cand_vec)
        nv2 = lax.div(n_cand + jnp.int32(L - 1), jnp.int32(L))

        lax.fori_loop(0, 256, zero_hist, 0)

        def p2(i, carry):
            a = cand_v[pl.ds(i * L, L)]
            b = plsc.bitcast(a, jnp.int32)
            d = lax.shift_right_logical(b, 15) & jnp.int32(255)
            idx = (d << 4) | lanes
            tm = (i * L + lanes) < n_cand
            plsc.addupdate_scatter(hist_v, [idx], ones_i, mask=tm)
            return carry

        lax.fori_loop(0, nv2, p2, 0)
        d2, a2 = find_digit(r1)
        r2 = r1 - a2

        hi2 = ((d1 << 23) | (d2 << 15)) + jnp.int32(1 << 15)

        def cpc2(i, carry):
            off2, ss = carry
            a = cand_v[pl.ds(i * L, L)]
            b = plsc.bitcast(a, jnp.int32)
            tm = (i * L + lanes) < n_cand
            ss = ss + jnp.where(jnp.logical_and(tm, b >= hi2), a * a,
                                jnp.float32(0.0))
            m = jnp.logical_and(
                tm, (lax.shift_right_logical(b, 15) & jnp.int32(255)) == d2)
            pos = plsc.cumsum(jnp.where(m, jnp.int32(1), jnp.int32(0)))
            plsc.store_scatter(cand2_v, [off2 + pos - 1], a, mask=m)
            return (off2 + plsc.all_reduce_population_count(m), ss)

        n2_vec, ss_vec = lax.fori_loop(
            0, nv2, cpc2, (jnp.zeros((L,), jnp.int32), ss_vec))
        n2 = jnp.max(n2_vec)
        nv3 = lax.div(n2 + jnp.int32(L - 1), jnp.int32(L))

        base = (d1 << 23) | (d2 << 15)

        def bitstep(t, acc):
            bit = jnp.int32(1) << (jnp.int32(14) - t)
            trial = base | acc | bit

            def cnt_body(i, cv):
                a = cand2_v[pl.ds(i * L, L)]
                b = plsc.bitcast(a, jnp.int32)
                tm = (i * L + lanes) < n2
                keep = jnp.logical_and(tm, b >= trial)
                return cv + jnp.where(keep, jnp.int32(1), jnp.int32(0))

            cv = lax.fori_loop(0, nv3, cnt_body, jnp.zeros((L,), jnp.int32))
            return jnp.where(jnp.sum(cv) >= r2, acc | bit, acc)

        tbits = base | lax.fori_loop(0, 15, bitstep, jnp.int32(0))

        def ssc(i, ss):
            a = cand2_v[pl.ds(i * L, L)]
            b = plsc.bitcast(a, jnp.int32)
            tm = (i * L + lanes) < n2
            m = jnp.logical_and(tm, b >= tbits)
            return ss + jnp.where(m, a * a, jnp.float32(0.0))

        ss_vec = lax.fori_loop(0, nv3, ssc, ss_vec)
        ss = jnp.sum(ss_vec)

        s_vec = jnp.full((L,), ss, jnp.float32)
        y = plsc.bitcast(
            lax.shift_right_logical(plsc.bitcast(s_vec, jnp.int32), 1)
            + _SQRT_MAGIC, jnp.float32)
        for _ in range(4):
            y = jnp.float32(0.5) * (y + s_vec / y)
        inv = jnp.float32(1.0) / (y + jnp.float32(1e-6))

        def sc(i, carry):
            v = row_v[pl.ds(i * L, L)]
            b = plsc.bitcast(jnp.abs(v), jnp.int32)
            row_v[pl.ds(i * L, L)] = jnp.where(
                b >= tbits, v * inv, jnp.float32(0.0))
            return carry

        lax.fori_loop(0, NV, sc, 0)
        pltpu.sync_copy(row_v, out_hbm.at[row])
        return carry

    lax.fori_loop(0, ROWS_PER_W, do_row, 0)


_sc_topk = functools.partial(
    pl.kernel,
    out_type=jax.ShapeDtypeStruct((R, N), jnp.float32),
    mesh=plsc.VectorSubcoreMesh(core_axis_name="c", subcore_axis_name="s"),
    scratch_types=[
        pltpu.VMEM((N,), jnp.float32),
        pltpu.VMEM((N,), jnp.float32),
        pltpu.VMEM((N,), jnp.float32),
        pltpu.VMEM((256 * L,), jnp.int32),
        pltpu.SMEM((256,), jnp.int32),
    ],
    compiler_params=pltpu.CompilerParams(needs_layout_passes=False),
)(_sc_body)


def kernel(x):
    return _sc_topk(x)

# --- scband reference (transcript-rebuilt; emitter-appended) ---
"""Pipeline reference for scband-top-ksparsity-ste-34248069219175 (READ-ONLY COPY).

The authoritative reference and input builder live on the scoring server;
editing this copy changes nothing except your own understanding.
"""

import jax, jax.numpy as jnp
import numpy as np

K_RATIO = 0.1

def setup_inputs(seed: int = 0) -> dict:
    key = jax.random.key(seed)
    x = jax.random.normal(key, (128, 32768), dtype=jnp.float32)
    return {"x": x}

def reference(x):
    k = int(K_RATIO * x.shape[-1])
    absx = jnp.abs(x)
    topk_vals, _ = jax.lax.top_k(absx, k)
    thresh = topk_vals[..., -1:]
    mask = (absx >= thresh).astype(jnp.float32)
    xm = x * mask
    out = xm / (jnp.linalg.norm(xm, axis=-1, keepdims=True) + 1e-06)
    return out

if __name__ == "__main__":
    import jax
    _d = setup_inputs()
    print(jax.jit(kernel)(*tuple(_d.values())))

</pallas_src>

<mosaic_0001>
#map = affine_map<(d0, d1) -> (0, 0)>
module attributes {stable_mosaic.version = 14 : i64} {
  func.func @_sc_body(%arg0: i32, %arg1: i32, %arg2: memref<128x32768xf32, #tpu.memory_space<hbm>>, %arg3: memref<128x32768xf32, #tpu.memory_space<hbm>>, %arg4: memref<32768xf32, #tpu.memory_space<vmem>>, %arg5: memref<32768xf32, #tpu.memory_space<vmem>>, %arg6: memref<32768xf32, #tpu.memory_space<vmem>>, %arg7: memref<4096xi32, #tpu.memory_space<vmem>>, %arg8: memref<256xi32, #tpu.memory_space<smem>>) attributes {dimension_semantics = [#tpu.dimension_semantics<core_parallel>, #tpu.dimension_semantics<subcore_parallel>], iteration_bounds = array<i64: 2, 16>, scalar_prefetch = 0 : i64, scratch_operands = 5 : i64, tpu.core_type = #tpu.core_type<sc_vector_subcore>, window_params = [{transform_indices = #map}, {transform_indices = #map}]} {
    %mul3A = arith.constant 2 : i32
    %mul3A_0 = arith.muli %arg1, %mul3A : i32
    %add3A = arith.addi %mul3A_0, %arg0 : i32
    %iota3A = tpu.iota {dimensions = array<i32: 0>} : vector<16xi32>
    %broadcast_in_dim3A = arith.constant 1 : i32
    %broadcast_in_dim3A_1 = vector.broadcast %broadcast_in_dim3A : i32 to vector<16xi32>
    %scan3A = arith.constant 0 : i32
    %scan3A_2 = arith.constant 0 : i32
    %scan3A_3 = arith.constant 4 : i32
    %scan3A_4 = arith.addi %scan3A_2, %scan3A_3 : i32
    %scan3A_5 = arith.constant 1 : i32
    scf.for %scan3A_7 = %scan3A_2 to %scan3A_4 step %scan3A_5  : i32 {
      %mul3A_8 = arith.constant 4 : i32
      %mul3A_9 = arith.muli %add3A, %mul3A_8 : i32
      %add3A_10 = arith.addi %mul3A_9, %scan3A_7 : i32
      "tpu.region"() ({
        %run_scoped3A = tpu.sem_alloc : memref<!tpu.dma_semaphore, #tpu.memory_space<semaphore_mem>>
        %dma_start3A = arith.constant 0 : i32
        %dma_start3A_193 = tpu.memref_slice %arg2[%add3A_10, %dma_start3A] : memref<128x32768xf32, #tpu.memory_space<hbm>> -> memref<1x32768xf32, #tpu.memory_space<hbm>>
        %dma_start3A_194 = tpu.memref_squeeze %dma_start3A_193 : memref<1x32768xf32, #tpu.memory_space<hbm>> -> memref<32768xf32, #tpu.memory_space<hbm>>
        %dma_start3A_195 = arith.constant 0 : i32
        %dma_start3A_196 = tpu.memref_slice %arg2[%add3A_10, %dma_start3A_195] : memref<128x32768xf32, #tpu.memory_space<hbm>> -> memref<1x32768xf32, #tpu.memory_space<hbm>>
        %dma_start3A_197 = tpu.memref_squeeze %dma_start3A_196 : memref<1x32768xf32, #tpu.memory_space<hbm>> -> memref<32768xf32, #tpu.memory_space<hbm>>
        tpu.enqueue_dma source(%dma_start3A_197 : memref<32768xf32, #tpu.memory_space<hbm>>) target(%arg4 : memref<32768xf32, #tpu.memory_space<vmem>>) target_semaphore(%run_scoped3A : memref<!tpu.dma_semaphore, #tpu.memory_space<semaphore_mem>>)
        %dma_wait3A = arith.constant 0 : i32
        %dma_wait3A_198 = tpu.memref_slice %arg2[%add3A_10, %dma_wait3A] : memref<128x32768xf32, #tpu.memory_space<hbm>> -> memref<1x32768xf32, #tpu.memory_space<hbm>>
        %dma_wait3A_199 = tpu.memref_squeeze %dma_wait3A_198 : memref<1x32768xf32, #tpu.memory_space<hbm>> -> memref<32768xf32, #tpu.memory_space<hbm>>
        %dma_wait3A_200 = arith.constant 0 : i32
        %dma_wait3A_201 = tpu.memref_slice %arg2[%add3A_10, %dma_wait3A_200] : memref<128x32768xf32, #tpu.memory_space<hbm>> -> memref<1x32768xf32, #tpu.memory_space<hbm>>
        %dma_wait3A_202 = tpu.memref_squeeze %dma_wait3A_201 : memref<1x32768xf32, #tpu.memory_space<hbm>> -> memref<32768xf32, #tpu.memory_space<hbm>>
        tpu.wait_dma2 semaphore(%run_scoped3A : memref<!tpu.dma_semaphore, #tpu.memory_space<semaphore_mem>>) src(%dma_wait3A_202 : memref<32768xf32, #tpu.memory_space<hbm>>) dst(%arg4 : memref<32768xf32, #tpu.memory_space<vmem>>)
        tpu.yield
      }) : () -> ()
      %scan3A_11 = arith.constant 0 : i32
      %scan3A_12 = arith.constant 0 : i32
      %scan3A_13 = arith.constant 256 : i32
      %scan3A_14 = arith.addi %scan3A_12, %scan3A_13 : i32
      %scan3A_15 = arith.constant 1 : i32
      scf.for %scan3A_193 = %scan3A_12 to %scan3A_14 step %scan3A_15  : i32 {
        %broadcast_in_dim3A_194 = arith.constant 0 : i32
        %broadcast_in_dim3A_195 = vector.broadcast %broadcast_in_dim3A_194 : i32 to vector<16xi32>
        %mul3A_196 = arith.constant 16 : i32
        %mul3A_197 = arith.muli %scan3A_193, %mul3A_196 : i32
        %swap3A = arith.index_cast %mul3A_197 : i32 to index
        %swap3A_198 = tpu.vector_load %arg7[%swap3A] {strides = array<i32>} : memref<4096xi32, #tpu.memory_space<vmem>>, vector<16xi32>,
        tpu.vector_store %arg7[%swap3A], %broadcast_in_dim3A_195 {strides = array<i32>} : memref<4096xi32, #tpu.memory_space<vmem>>, vector<16xi32>,
      }
      %scan3A_16 = arith.constant 256 : i32
      %scan3A_17 = arith.constant 0 : i32
      %scan3A_18 = arith.constant 0 : i32
      %scan3A_19 = arith.constant 2048 : i32
      %scan3A_20 = arith.addi %scan3A_18, %scan3A_19 : i32
      %scan3A_21 = arith.constant 1 : i32
      scf.for %scan3A_193 = %scan3A_18 to %scan3A_20 step %scan3A_21  : i32 {
        %mul3A_194 = arith.constant 16 : i32
        %mul3A_195 = arith.muli %scan3A_193, %mul3A_194 : i32
        %get3A = arith.index_cast %mul3A_195 : i32 to index
        %get3A_196 = tpu.vector_load %arg4[%get3A] {strides = array<i32>} : memref<32768xf32, #tpu.memory_space<vmem>>, vector<16xf32>,
        %abs3A = math.absf %get3A_196 : vector<16xf32>
        %bitcast3A_197 = vector.bitcast %abs3A : vector<16xf32> to vector<16xi32>
        %shift_right_logical3A_198 = arith.constant 23 : i32
        %shift_right_logical3A_199 = vector.broadcast %shift_right_logical3A_198 : i32 to vector<16xi32>
        %shift_right_logical3A_200 = arith.shrui %bitcast3A_197, %shift_right_logical3A_199 : vector<16xi32>
        %shift_left3A_201 = arith.constant 4 : i32
        %shift_left3A_202 = vector.broadcast %shift_left3A_201 : i32 to vector<16xi32>
        %shift_left3A_203 = arith.shli %shift_right_logical3A_200, %shift_left3A_202 : vector<16xi32>
        %or3A_204 = arith.ori %shift_left3A_203, %iota3A : vector<16xi32>
        tpu.vector_store_idx %arg7[%or3A_204], %broadcast_in_dim3A_1 {add = true} : memref<4096xi32, #tpu.memory_space<vmem>>[vector<16xi32>], vector<16xi32>,
      }
      %scan3A_22 = arith.constant 2048 : i32
      %scan3A_23 = arith.constant 0 : i32
      %scan3A_24 = arith.constant 0 : i32
      %scan3A_25 = arith.constant 256 : i32
      %scan3A_26 = arith.addi %scan3A_24, %scan3A_25 : i32
      %scan3A_27 = arith.constant 1 : i32
      scf.for %scan3A_193 = %scan3A_24 to %scan3A_26 step %scan3A_27  : i32 {
        %mul3A_194 = arith.constant 16 : i32
        %mul3A_195 = arith.muli %scan3A_193, %mul3A_194 : i32
        %get3A = arith.index_cast %mul3A_195 : i32 to index
        %get3A_196 = tpu.vector_load %arg7[%get3A] {strides = array<i32>} : memref<4096xi32, #tpu.memory_space<vmem>>, vector<16xi32>,
        %reduce_sum3A_197 = arith.constant true
        %reduce_sum3A_198 = vector.broadcast %reduce_sum3A_197 : i1 to vector<16xi1>
        %reduce_sum3A_199 = tpu.scan <sum>, %get3A_196 masked %reduce_sum3A_198 : vector<16xi32>, vector<16xi1> -> vector<16xi32>
        %reduce_sum3A_200 = vector.extract %reduce_sum3A_199[15] : i32 from vector<16xi32>
        %swap3A = arith.index_cast %scan3A_193 : i32 to index
        %swap3A_201 = memref.load %arg8[%swap3A] : memref<256xi32, #tpu.memory_space<smem>>
        memref.store %reduce_sum3A_200, %arg8[%swap3A] : memref<256xi32, #tpu.memory_space<smem>>
      }
      %scan3A_28 = arith.constant 256 : i32
      %scan3A_29 = arith.constant 3276 : i32
      %scan3A_30 = arith.constant 0 : i32
      %scan3A_31 = arith.constant 0 : i32
      %scan3A_32 = arith.constant 0 : i32
      %scan3A_33 = arith.constant false
      %scan3A_34 = arith.constant 0 : i32
      %scan3A_35 = arith.constant 256 : i32
      %scan3A_36 = arith.addi %scan3A_34, %scan3A_35 : i32
      %scan3A_37 = arith.constant 1 : i32
      %scan3A_38:4 = scf.for %scan3A_193 = %scan3A_34 to %scan3A_36 step %scan3A_37 iter_args(%scan3A_194 = %scan3A_30, %scan3A_195 = %scan3A_31, %scan3A_196 = %scan3A_32, %scan3A_197 = %scan3A_33) -> (i32, i32, i32, i1)  : i32 {
        %sub3A_198 = arith.constant 255 : i32
        %sub3A_199 = arith.subi %sub3A_198, %scan3A_193 : i32
        %get3A = arith.index_cast %sub3A_199 : i32 to index
        %get3A_200 = memref.load %arg8[%get3A] : memref<256xi32, #tpu.memory_space<smem>>
        %add3A_201 = arith.addi %scan3A_194, %get3A_200 : i32
        %not3A = arith.constant true
        %not3A_202 = arith.xori %scan3A_197, %not3A : i1
        %ge3A = arith.cmpi sge, %add3A_201, %scan3A_29 : i32
        %and3A = arith.andi %not3A_202, %ge3A : i1
        %select_n3A = arith.select %and3A, %sub3A_199, %scan3A_195 : i32
        %select_n3A_203 = arith.select %and3A, %scan3A_194, %scan3A_196 : i32
        %or3A_204 = arith.ori %scan3A_197, %and3A : i1
        scf.yield %add3A_201, %select_n3A, %select_n3A_203, %or3A_204 : i32, i32, i32, i1
      }
      %scan3A_39 = arith.constant 256 : i32
      %sub3A = arith.constant 3276 : i32
      %sub3A_40 = arith.subi %sub3A, %scan3A_38#2 : i32
      %add3A_41 = arith.constant 1 : i32
      %add3A_42 = arith.addi %scan3A_38#1, %add3A_41 : i32
      %shift_left3A = arith.constant 23 : i32
      %shift_left3A_43 = arith.shli %add3A_42, %shift_left3A : i32
      %broadcast_in_dim3A_44 = arith.constant 0 : i32
      %broadcast_in_dim3A_45 = vector.broadcast %broadcast_in_dim3A_44 : i32 to vector<16xi32>
      %broadcast_in_dim3A_46 = arith.constant 0.000000e+00 : f32
      %broadcast_in_dim3A_47 = vector.broadcast %broadcast_in_dim3A_46 : f32 to vector<16xf32>
      %scan3A_48 = arith.constant 0 : i32
      %scan3A_49 = arith.constant 2048 : i32
      %scan3A_50 = arith.addi %scan3A_48, %scan3A_49 : i32
      %scan3A_51 = arith.constant 1 : i32
      %scan3A_52:2 = scf.for %scan3A_193 = %scan3A_48 to %scan3A_50 step %scan3A_51 iter_args(%scan3A_194 = %broadcast_in_dim3A_45, %scan3A_195 = %broadcast_in_dim3A_47) -> (vector<16xi32>, vector<16xf32>)  : i32 {
        %mul3A_196 = arith.constant 16 : i32
        %mul3A_197 = arith.muli %scan3A_193, %mul3A_196 : i32
        %get3A = arith.index_cast %mul3A_197 : i32 to index
        %get3A_198 = tpu.vector_load %arg4[%get3A] {strides = array<i32>} : memref<32768xf32, #tpu.memory_space<vmem>>, vector<16xf32>,
        %abs3A = math.absf %get3A_198 : vector<16xf32>
        %bitcast3A_199 = vector.bitcast %abs3A : vector<16xf32> to vector<16xi32>
        %ge3A = vector.broadcast %shift_left3A_43 : i32 to vector<16xi32>
        %ge3A_200 = arith.cmpi sge, %bitcast3A_199, %ge3A : vector<16xi32>
        %mul3A_201 = arith.mulf %abs3A, %abs3A : vector<16xf32>
        %jit3A = arith.constant 0.000000e+00 : f32
        %broadcast_in_dim3A_202 = vector.broadcast %jit3A : f32 to vector<16xf32>
        %select_n3A = arith.select %ge3A_200, %mul3A_201, %broadcast_in_dim3A_202 : vector<16xi1>, vector<16xf32>
        %add3A_203 = arith.addf %scan3A_195, %select_n3A : vector<16xf32>
        %shift_right_logical3A_204 = arith.constant 23 : i32
        %shift_right_logical3A_205 = vector.broadcast %shift_right_logical3A_204 : i32 to vector<16xi32>
        %shift_right_logical3A_206 = arith.shrui %bitcast3A_199, %shift_right_logical3A_205 : vector<16xi32>
        %eq3A = vector.broadcast %scan3A_38#1 : i32 to vector<16xi32>
        %eq3A_207 = arith.cmpi eq, %shift_right_logical3A_206, %eq3A : vector<16xi32>
        %jit3A_208 = arith.constant 1 : i32
        %jit3A_209 = arith.constant 0 : i32
        %broadcast_in_dim3A_210 = vector.broadcast %jit3A_208 : i32 to vector<16xi32>
        %broadcast_in_dim3A_211 = vector.broadcast %jit3A_209 : i32 to vector<16xi32>
        %select_n3A_212 = arith.select %eq3A_207, %broadcast_in_dim3A_210, %broadcast_in_dim3A_211 : vector<16xi1>, vector<16xi32>
        %broadcast_in_dim3A_213 = arith.constant true
        %broadcast_in_dim3A_214 = vector.broadcast %broadcast_in_dim3A_213 : i1 to vector<16xi1>
        %masked_cumsum3A = tpu.scan <sum>, %select_n3A_212 masked %broadcast_in_dim3A_214 : vector<16xi32>, vector<16xi1> -> vector<16xi32>
        %add3A_215 = arith.addi %scan3A_194, %masked_cumsum3A : vector<16xi32>
        %sub3A_216 = arith.constant 1 : i32
        %sub3A_217 = vector.broadcast %sub3A_216 : i32 to vector<16xi32>
        %sub3A_218 = arith.subi %add3A_215, %sub3A_217 : vector<16xi32>
        tpu.vector_store_idx %arg5[%sub3A_218], %abs3A masked %eq3A_207 : memref<32768xf32, #tpu.memory_space<vmem>>[vector<16xi32>], vector<16xf32>, vector<16xi1>
        %all_reduce_population_count3A = tpu.all_reduce %eq3A_207 {dim = 0 : i64, kind = #tpu.reduction_kind<sum>} : vector<16xi1> -> vector<16xi32>
        %add3A_219 = arith.addi %scan3A_194, %all_reduce_population_count3A : vector<16xi32>
        scf.yield %add3A_219, %add3A_203 : vector<16xi32>, vector<16xf32>
      }
      %scan3A_53 = arith.constant 2048 : i32
      %reduce_max3A = arith.constant true
      %reduce_max3A_54 = vector.broadcast %reduce_max3A : i1 to vector<16xi1>
      %reduce_max3A_55 = arith.constant -2147483648 : i32
      %reduce_max3A_56 = vector.broadcast %reduce_max3A_55 : i32 to vector<16xi32>
      %reduce_max3A_57 = arith.xori %scan3A_52#0, %reduce_max3A_56 : vector<16xi32>
      %reduce_max3A_58 = tpu.scan <max>, %reduce_max3A_57 masked %reduce_max3A_54 : vector<16xi32>, vector<16xi1> -> vector<16xi32>
      %reduce_max3A_59 = arith.xori %reduce_max3A_58, %reduce_max3A_56 : vector<16xi32>
      %reduce_max3A_60 = vector.extract %reduce_max3A_59[15] : i32 from vector<16xi32>
      %add3A_61 = arith.constant 15 : i32
      %add3A_62 = arith.addi %reduce_max3A_60, %add3A_61 : i32
      %div3A = arith.constant 16 : i32
      %div3A_63 = arith.divsi %add3A_62, %div3A : i32
      %scan3A_64 = arith.constant 0 : i32
      %scan3A_65 = arith.constant 0 : i32
      %scan3A_66 = arith.constant 256 : i32
      %scan3A_67 = arith.addi %scan3A_65, %scan3A_66 : i32
      %scan3A_68 = arith.constant 1 : i32
      scf.for %scan3A_193 = %scan3A_65 to %scan3A_67 step %scan3A_68  : i32 {
        %broadcast_in_dim3A_194 = arith.constant 0 : i32
        %broadcast_in_dim3A_195 = vector.broadcast %broadcast_in_dim3A_194 : i32 to vector<16xi32>
        %mul3A_196 = arith.constant 16 : i32
        %mul3A_197 = arith.muli %scan3A_193, %mul3A_196 : i32
        %swap3A = arith.index_cast %mul3A_197 : i32 to index
        %swap3A_198 = tpu.vector_load %arg7[%swap3A] {strides = array<i32>} : memref<4096xi32, #tpu.memory_space<vmem>>, vector<16xi32>,
        tpu.vector_store %arg7[%swap3A], %broadcast_in_dim3A_195 {strides = array<i32>} : memref<4096xi32, #tpu.memory_space<vmem>>, vector<16xi32>,
      }
      %scan3A_69 = arith.constant 256 : i32
      %while3A = arith.constant 0 : i32
      %while3A_70 = arith.constant 0 : i32
      %while3A_71 = arith.subi %div3A_63, %while3A_70 : i32
      %while3A_72 = arith.addi %while3A_70, %while3A_71 : i32
      %while3A_73 = arith.constant 1 : i32
      %while3A_74 = arith.divsi %while3A_71, %while3A_73 : i32
      %while3A_75 = arith.muli %while3A_74, %while3A_73 : i32
      %while3A_76 = arith.addi %while3A_70, %while3A_75 : i32
      %while3A_77 = arith.constant 1 : i32
      scf.for %while3A_193 = %while3A_70 to %while3A_76 step %while3A_77  : i32 {
        %mul3A_194 = arith.constant 16 : i32
        %mul3A_195 = arith.muli %while3A_193, %mul3A_194 : i32
        %get3A = arith.index_cast %mul3A_195 : i32 to index
        %get3A_196 = tpu.vector_load %arg5[%get3A] {strides = array<i32>} : memref<32768xf32, #tpu.memory_space<vmem>>, vector<16xf32>,
        %bitcast3A_197 = vector.bitcast %get3A_196 : vector<16xf32> to vector<16xi32>
        %shift_right_logical3A_198 = arith.constant 15 : i32
        %shift_right_logical3A_199 = vector.broadcast %shift_right_logical3A_198 : i32 to vector<16xi32>
        %shift_right_logical3A_200 = arith.shrui %bitcast3A_197, %shift_right_logical3A_199 : vector<16xi32>
        %and3A = arith.constant 255 : i32
        %and3A_201 = vector.broadcast %and3A : i32 to vector<16xi32>
        %and3A_202 = arith.andi %shift_right_logical3A_200, %and3A_201 : vector<16xi32>
        %shift_left3A_203 = arith.constant 4 : i32
        %shift_left3A_204 = vector.broadcast %shift_left3A_203 : i32 to vector<16xi32>
        %shift_left3A_205 = arith.shli %and3A_202, %shift_left3A_204 : vector<16xi32>
        %or3A_206 = arith.ori %shift_left3A_205, %iota3A : vector<16xi32>
        %mul3A_207 = arith.constant 16 : i32
        %mul3A_208 = arith.muli %while3A_193, %mul3A_207 : i32
        %add3A_209 = vector.broadcast %mul3A_208 : i32 to vector<16xi32>
        %add3A_210 = arith.addi %add3A_209, %iota3A : vector<16xi32>
        %lt3A = vector.broadcast %reduce_max3A_60 : i32 to vector<16xi32>
        %lt3A_211 = arith.cmpi slt, %add3A_210, %lt3A : vector<16xi32>
        tpu.vector_store_idx %arg7[%or3A_206], %broadcast_in_dim3A_1 masked %lt3A_211 {add = true} : memref<4096xi32, #tpu.memory_space<vmem>>[vector<16xi32>], vector<16xi32>, vector<16xi1>
      }
      %while3A_78 = arith.constant 1 : i32
      scf.for %while3A_193 = %while3A_76 to %while3A_72 step %while3A_78  : i32 {
        %mul3A_194 = arith.constant 16 : i32
        %mul3A_195 = arith.muli %while3A_193, %mul3A_194 : i32
        %get3A = arith.index_cast %mul3A_195 : i32 to index
        %get3A_196 = tpu.vector_load %arg5[%get3A] {strides = array<i32>} : memref<32768xf32, #tpu.memory_space<vmem>>, vector<16xf32>,
        %bitcast3A_197 = vector.bitcast %get3A_196 : vector<16xf32> to vector<16xi32>
        %shift_right_logical3A_198 = arith.constant 15 : i32
        %shift_right_logical3A_199 = vector.broadcast %shift_right_logical3A_198 : i32 to vector<16xi32>
        %shift_right_logical3A_200 = arith.shrui %bitcast3A_197, %shift_right_logical3A_199 : vector<16xi32>
        %and3A = arith.constant 255 : i32
        %and3A_201 = vector.broadcast %and3A : i32 to vector<16xi32>
        %and3A_202 = arith.andi %shift_right_logical3A_200, %and3A_201 : vector<16xi32>
        %shift_left3A_203 = arith.constant 4 : i32
        %shift_left3A_204 = vector.broadcast %shift_left3A_203 : i32 to vector<16xi32>
        %shift_left3A_205 = arith.shli %and3A_202, %shift_left3A_204 : vector<16xi32>
        %or3A_206 = arith.ori %shift_left3A_205, %iota3A : vector<16xi32>
        %mul3A_207 = arith.constant 16 : i32
        %mul3A_208 = arith.muli %while3A_193, %mul3A_207 : i32
        %add3A_209 = vector.broadcast %mul3A_208 : i32 to vector<16xi32>
        %add3A_210 = arith.addi %add3A_209, %iota3A : vector<16xi32>
        %lt3A = vector.broadcast %reduce_max3A_60 : i32 to vector<16xi32>
        %lt3A_211 = arith.cmpi slt, %add3A_210, %lt3A : vector<16xi32>
        tpu.vector_store_idx %arg7[%or3A_206], %broadcast_in_dim3A_1 masked %lt3A_211 {add = true} : memref<4096xi32, #tpu.memory_space<vmem>>[vector<16xi32>], vector<16xi32>, vector<16xi1>
      }
      %scan3A_79 = arith.constant 0 : i32
      %scan3A_80 = arith.constant 0 : i32
      %scan3A_81 = arith.constant 256 : i32
      %scan3A_82 = arith.addi %scan3A_80, %scan3A_81 : i32
      %scan3A_83 = arith.constant 1 : i32
      scf.for %scan3A_193 = %scan3A_80 to %scan3A_82 step %scan3A_83  : i32 {
        %mul3A_194 = arith.constant 16 : i32
        %mul3A_195 = arith.muli %scan3A_193, %mul3A_194 : i32
        %get3A = arith.index_cast %mul3A_195 : i32 to index
        %get3A_196 = tpu.vector_load %arg7[%get3A] {strides = array<i32>} : memref<4096xi32, #tpu.memory_space<vmem>>, vector<16xi32>,
        %reduce_sum3A_197 = arith.constant true
        %reduce_sum3A_198 = vector.broadcast %reduce_sum3A_197 : i1 to vector<16xi1>
        %reduce_sum3A_199 = tpu.scan <sum>, %get3A_196 masked %reduce_sum3A_198 : vector<16xi32>, vector<16xi1> -> vector<16xi32>
        %reduce_sum3A_200 = vector.extract %reduce_sum3A_199[15] : i32 from vector<16xi32>
        %swap3A = arith.index_cast %scan3A_193 : i32 to index
        %swap3A_201 = memref.load %arg8[%swap3A] : memref<256xi32, #tpu.memory_space<smem>>
        memref.store %reduce_sum3A_200, %arg8[%swap3A] : memref<256xi32, #tpu.memory_space<smem>>
      }
      %scan3A_84 = arith.constant 256 : i32
      %scan3A_85 = arith.constant 0 : i32
      %scan3A_86 = arith.constant 0 : i32
      %scan3A_87 = arith.constant 0 : i32
      %scan3A_88 = arith.constant false
      %scan3A_89 = arith.constant 0 : i32
      %scan3A_90 = arith.constant 256 : i32
      %scan3A_91 = arith.addi %scan3A_89, %scan3A_90 : i32
      %scan3A_92 = arith.constant 1 : i32
      %scan3A_93:4 = scf.for %scan3A_193 = %scan3A_89 to %scan3A_91 step %scan3A_92 iter_args(%scan3A_194 = %scan3A_85, %scan3A_195 = %scan3A_86, %scan3A_196 = %scan3A_87, %scan3A_197 = %scan3A_88) -> (i32, i32, i32, i1)  : i32 {
        %sub3A_198 = arith.constant 255 : i32
        %sub3A_199 = arith.subi %sub3A_198, %scan3A_193 : i32
        %get3A = arith.index_cast %sub3A_199 : i32 to index
        %get3A_200 = memref.load %arg8[%get3A] : memref<256xi32, #tpu.memory_space<smem>>
        %add3A_201 = arith.addi %scan3A_194, %get3A_200 : i32
        %not3A = arith.constant true
        %not3A_202 = arith.xori %scan3A_197, %not3A : i1
        %ge3A = arith.cmpi sge, %add3A_201, %sub3A_40 : i32
        %and3A = arith.andi %not3A_202, %ge3A : i1
        %select_n3A = arith.select %and3A, %sub3A_199, %scan3A_195 : i32
        %select_n3A_203 = arith.select %and3A, %scan3A_194, %scan3A_196 : i32
        %or3A_204 = arith.ori %scan3A_197, %and3A : i1
        scf.yield %add3A_201, %select_n3A, %select_n3A_203, %or3A_204 : i32, i32, i32, i1
      }
      %scan3A_94 = arith.constant 256 : i32
      %sub3A_95 = arith.subi %sub3A_40, %scan3A_93#2 : i32
      %shift_left3A_96 = arith.constant 23 : i32
      %shift_left3A_97 = arith.shli %scan3A_38#1, %shift_left3A_96 : i32
      %shift_left3A_98 = arith.constant 15 : i32
      %shift_left3A_99 = arith.shli %scan3A_93#1, %shift_left3A_98 : i32
      %or3A = arith.ori %shift_left3A_97, %shift_left3A_99 : i32
      %add3A_100 = arith.constant 32768 : i32
      %add3A_101 = arith.addi %or3A, %add3A_100 : i32
      %broadcast_in_dim3A_102 = arith.constant 0 : i32
      %broadcast_in_dim3A_103 = vector.broadcast %broadcast_in_dim3A_102 : i32 to vector<16xi32>
      %while3A_104 = arith.constant 0 : i32
      %while3A_105 = arith.subi %div3A_63, %while3A_104 : i32
      %while3A_106 = arith.addi %while3A_104, %while3A_105 : i32
      %while3A_107 = arith.constant 1 : i32
      %while3A_108 = arith.divsi %while3A_105, %while3A_107 : i32
      %while3A_109 = arith.muli %while3A_108, %while3A_107 : i32
      %while3A_110 = arith.addi %while3A_104, %while3A_109 : i32
      %while3A_111 = arith.constant 1 : i32
      %while3A_112:2 = scf.for %while3A_193 = %while3A_104 to %while3A_110 step %while3A_111 iter_args(%while3A_194 = %broadcast_in_dim3A_103, %while3A_195 = %scan3A_52#1) -> (vector<16xi32>, vector<16xf32>)  : i32 {
        %mul3A_196 = arith.constant 16 : i32
        %mul3A_197 = arith.muli %while3A_193, %mul3A_196 : i32
        %get3A = arith.index_cast %mul3A_197 : i32 to index
        %get3A_198 = tpu.vector_load %arg5[%get3A] {strides = array<i32>} : memref<32768xf32, #tpu.memory_space<vmem>>, vector<16xf32>,
        %bitcast3A_199 = vector.bitcast %get3A_198 : vector<16xf32> to vector<16xi32>
        %mul3A_200 = arith.constant 16 : i32
        %mul3A_201 = arith.muli %while3A_193, %mul3A_200 : i32
        %add3A_202 = vector.broadcast %mul3A_201 : i32 to vector<16xi32>
        %add3A_203 = arith.addi %add3A_202, %iota3A : vector<16xi32>
        %lt3A = vector.broadcast %reduce_max3A_60 : i32 to vector<16xi32>
        %lt3A_204 = arith.cmpi slt, %add3A_203, %lt3A : vector<16xi32>
        %ge3A = vector.broadcast %add3A_101 : i32 to vector<16xi32>
        %ge3A_205 = arith.cmpi sge, %bitcast3A_199, %ge3A : vector<16xi32>
        %and3A = arith.andi %lt3A_204, %ge3A_205 : vector<16xi1>
        %mul3A_206 = arith.mulf %get3A_198, %get3A_198 : vector<16xf32>
        %jit3A = arith.constant 0.000000e+00 : f32
        %broadcast_in_dim3A_207 = vector.broadcast %jit3A : f32 to vector<16xf32>
        %select_n3A = arith.select %and3A, %mul3A_206, %broadcast_in_dim3A_207 : vector<16xi1>, vector<16xf32>
        %add3A_208 = arith.addf %while3A_195, %select_n3A : vector<16xf32>
        %shift_right_logical3A_209 = arith.constant 15 : i32
        %shift_right_logical3A_210 = vector.broadcast %shift_right_logical3A_209 : i32 to vector<16xi32>
        %shift_right_logical3A_211 = arith.shrui %bitcast3A_199, %shift_right_logical3A_210 : vector<16xi32>
        %and3A_212 = arith.constant 255 : i32
        %and3A_213 = vector.broadcast %and3A_212 : i32 to vector<16xi32>
        %and3A_214 = arith.andi %shift_right_logical3A_211, %and3A_213 : vector<16xi32>
        %eq3A = vector.broadcast %scan3A_93#1 : i32 to vector<16xi32>
        %eq3A_215 = arith.cmpi eq, %and3A_214, %eq3A : vector<16xi32>
        %and3A_216 = arith.andi %lt3A_204, %eq3A_215 : vector<16xi1>
        %jit3A_217 = arith.constant 1 : i32
        %jit3A_218 = arith.constant 0 : i32
        %broadcast_in_dim3A_219 = vector.broadcast %jit3A_217 : i32 to vector<16xi32>
        %broadcast_in_dim3A_220 = vector.broadcast %jit3A_218 : i32 to vector<16xi32>
        %select_n3A_221 = arith.select %and3A_216, %broadcast_in_dim3A_219, %broadcast_in_dim3A_220 : vector<16xi1>, vector<16xi32>
        %broadcast_in_dim3A_222 = arith.constant true
        %broadcast_in_dim3A_223 = vector.broadcast %broadcast_in_dim3A_222 : i1 to vector<16xi1>
        %masked_cumsum3A = tpu.scan <sum>, %select_n3A_221 masked %broadcast_in_dim3A_223 : vector<16xi32>, vector<16xi1> -> vector<16xi32>
        %add3A_224 = arith.addi %while3A_194, %masked_cumsum3A : vector<16xi32>
        %sub3A_225 = arith.constant 1 : i32
        %sub3A_226 = vector.broadcast %sub3A_225 : i32 to vector<16xi32>
        %sub3A_227 = arith.subi %add3A_224, %sub3A_226 : vector<16xi32>
        tpu.vector_store_idx %arg6[%sub3A_227], %get3A_198 masked %and3A_216 : memref<32768xf32, #tpu.memory_space<vmem>>[vector<16xi32>], vector<16xf32>, vector<16xi1>
        %all_reduce_population_count3A = tpu.all_reduce %and3A_216 {dim = 0 : i64, kind = #tpu.reduction_kind<sum>} : vector<16xi1> -> vector<16xi32>
        %add3A_228 = arith.addi %while3A_194, %all_reduce_population_count3A : vector<16xi32>
        scf.yield %add3A_228, %add3A_208 : vector<16xi32>, vector<16xf32>
      }
      %while3A_113 = arith.constant 1 : i32
      %while3A_114:2 = scf.for %while3A_193 = %while3A_110 to %while3A_106 step %while3A_113 iter_args(%while3A_194 = %while3A_112#0, %while3A_195 = %while3A_112#1) -> (vector<16xi32>, vector<16xf32>)  : i32 {
        %mul3A_196 = arith.constant 16 : i32
        %mul3A_197 = arith.muli %while3A_193, %mul3A_196 : i32
        %get3A = arith.index_cast %mul3A_197 : i32 to index
        %get3A_198 = tpu.vector_load %arg5[%get3A] {strides = array<i32>} : memref<32768xf32, #tpu.memory_space<vmem>>, vector<16xf32>,
        %bitcast3A_199 = vector.bitcast %get3A_198 : vector<16xf32> to vector<16xi32>
        %mul3A_200 = arith.constant 16 : i32
        %mul3A_201 = arith.muli %while3A_193, %mul3A_200 : i32
        %add3A_202 = vector.broadcast %mul3A_201 : i32 to vector<16xi32>
        %add3A_203 = arith.addi %add3A_202, %iota3A : vector<16xi32>
        %lt3A = vector.broadcast %reduce_max3A_60 : i32 to vector<16xi32>
        %lt3A_204 = arith.cmpi slt, %add3A_203, %lt3A : vector<16xi32>
        %ge3A = vector.broadcast %add3A_101 : i32 to vector<16xi32>
        %ge3A_205 = arith.cmpi sge, %bitcast3A_199, %ge3A : vector<16xi32>
        %and3A = arith.andi %lt3A_204, %ge3A_205 : vector<16xi1>
        %mul3A_206 = arith.mulf %get3A_198, %get3A_198 : vector<16xf32>
        %jit3A = arith.constant 0.000000e+00 : f32
        %broadcast_in_dim3A_207 = vector.broadcast %jit3A : f32 to vector<16xf32>
        %select_n3A = arith.select %and3A, %mul3A_206, %broadcast_in_dim3A_207 : vector<16xi1>, vector<16xf32>
        %add3A_208 = arith.addf %while3A_195, %select_n3A : vector<16xf32>
        %shift_right_logical3A_209 = arith.constant 15 : i32
        %shift_right_logical3A_210 = vector.broadcast %shift_right_logical3A_209 : i32 to vector<16xi32>
        %shift_right_logical3A_211 = arith.shrui %bitcast3A_199, %shift_right_logical3A_210 : vector<16xi32>
        %and3A_212 = arith.constant 255 : i32
        %and3A_213 = vector.broadcast %and3A_212 : i32 to vector<16xi32>
        %and3A_214 = arith.andi %shift_right_logical3A_211, %and3A_213 : vector<16xi32>
        %eq3A = vector.broadcast %scan3A_93#1 : i32 to vector<16xi32>
        %eq3A_215 = arith.cmpi eq, %and3A_214, %eq3A : vector<16xi32>
        %and3A_216 = arith.andi %lt3A_204, %eq3A_215 : vector<16xi1>
        %jit3A_217 = arith.constant 1 : i32
        %jit3A_218 = arith.constant 0 : i32
        %broadcast_in_dim3A_219 = vector.broadcast %jit3A_217 : i32 to vector<16xi32>
        %broadcast_in_dim3A_220 = vector.broadcast %jit3A_218 : i32 to vector<16xi32>
        %select_n3A_221 = arith.select %and3A_216, %broadcast_in_dim3A_219, %broadcast_in_dim3A_220 : vector<16xi1>, vector<16xi32>
        %broadcast_in_dim3A_222 = arith.constant true
        %broadcast_in_dim3A_223 = vector.broadcast %broadcast_in_dim3A_222 : i1 to vector<16xi1>
        %masked_cumsum3A = tpu.scan <sum>, %select_n3A_221 masked %broadcast_in_dim3A_223 : vector<16xi32>, vector<16xi1> -> vector<16xi32>
        %add3A_224 = arith.addi %while3A_194, %masked_cumsum3A : vector<16xi32>
        %sub3A_225 = arith.constant 1 : i32
        %sub3A_226 = vector.broadcast %sub3A_225 : i32 to vector<16xi32>
        %sub3A_227 = arith.subi %add3A_224, %sub3A_226 : vector<16xi32>
        tpu.vector_store_idx %arg6[%sub3A_227], %get3A_198 masked %and3A_216 : memref<32768xf32, #tpu.memory_space<vmem>>[vector<16xi32>], vector<16xf32>, vector<16xi1>
        %all_reduce_population_count3A = tpu.all_reduce %and3A_216 {dim = 0 : i64, kind = #tpu.reduction_kind<sum>} : vector<16xi1> -> vector<16xi32>
        %add3A_228 = arith.addi %while3A_194, %all_reduce_population_count3A : vector<16xi32>
        scf.yield %add3A_228, %add3A_208 : vector<16xi32>, vector<16xf32>
      }
      %reduce_max3A_115 = arith.constant true
      %reduce_max3A_116 = vector.broadcast %reduce_max3A_115 : i1 to vector<16xi1>
      %reduce_max3A_117 = arith.constant -2147483648 : i32
      %reduce_max3A_118 = vector.broadcast %reduce_max3A_117 : i32 to vector<16xi32>
      %reduce_max3A_119 = arith.xori %while3A_114#0, %reduce_max3A_118 : vector<16xi32>
      %reduce_max3A_120 = tpu.scan <max>, %reduce_max3A_119 masked %reduce_max3A_116 : vector<16xi32>, vector<16xi1> -> vector<16xi32>
      %reduce_max3A_121 = arith.xori %reduce_max3A_120, %reduce_max3A_118 : vector<16xi32>
      %reduce_max3A_122 = vector.extract %reduce_max3A_121[15] : i32 from vector<16xi32>
      %add3A_123 = arith.constant 15 : i32
      %add3A_124 = arith.addi %reduce_max3A_122, %add3A_123 : i32
      %div3A_125 = arith.constant 16 : i32
      %div3A_126 = arith.divsi %add3A_124, %div3A_125 : i32
      %shift_left3A_127 = arith.constant 23 : i32
      %shift_left3A_128 = arith.shli %scan3A_38#1, %shift_left3A_127 : i32
      %shift_left3A_129 = arith.constant 15 : i32
      %shift_left3A_130 = arith.shli %scan3A_93#1, %shift_left3A_129 : i32
      %or3A_131 = arith.ori %shift_left3A_128, %shift_left3A_130 : i32
      %scan3A_132 = arith.constant 0 : i32
      %scan3A_133 = arith.constant 0 : i32
      %scan3A_134 = arith.constant 15 : i32
      %scan3A_135 = arith.addi %scan3A_133, %scan3A_134 : i32
      %scan3A_136 = arith.constant 1 : i32
      %scan3A_137 = scf.for %scan3A_193 = %scan3A_133 to %scan3A_135 step %scan3A_136 iter_args(%scan3A_194 = %scan3A_132) -> (i32)  : i32 {
        %sub3A_195 = arith.constant 14 : i32
        %sub3A_196 = arith.subi %sub3A_195, %scan3A_193 : i32
        %shift_left3A_197 = arith.constant 1 : i32
        %shift_left3A_198 = arith.shli %shift_left3A_197, %sub3A_196 : i32
        %or3A_199 = arith.ori %or3A_131, %scan3A_194 : i32
        %or3A_200 = arith.ori %or3A_199, %shift_left3A_198 : i32
        %broadcast_in_dim3A_201 = arith.constant 0 : i32
        %broadcast_in_dim3A_202 = vector.broadcast %broadcast_in_dim3A_201 : i32 to vector<16xi32>
        %while3A_203 = arith.constant 0 : i32
        %while3A_204 = arith.subi %div3A_126, %while3A_203 : i32
        %while3A_205 = arith.addi %while3A_203, %while3A_204 : i32
        %while3A_206 = arith.constant 1 : i32
        %while3A_207 = arith.divsi %while3A_204, %while3A_206 : i32
        %while3A_208 = arith.muli %while3A_207, %while3A_206 : i32
        %while3A_209 = arith.addi %while3A_203, %while3A_208 : i32
        %while3A_210 = arith.constant 1 : i32
        %while3A_211 = scf.for %while3A_219 = %while3A_203 to %while3A_209 step %while3A_210 iter_args(%while3A_220 = %broadcast_in_dim3A_202) -> (vector<16xi32>)  : i32 {
          %mul3A_221 = arith.constant 16 : i32
          %mul3A_222 = arith.muli %while3A_219, %mul3A_221 : i32
          %get3A = arith.index_cast %mul3A_222 : i32 to index
          %get3A_223 = tpu.vector_load %arg6[%get3A] {strides = array<i32>} : memref<32768xf32, #tpu.memory_space<vmem>>, vector<16xf32>,
          %bitcast3A_224 = vector.bitcast %get3A_223 : vector<16xf32> to vector<16xi32>
          %mul3A_225 = arith.constant 16 : i32
          %mul3A_226 = arith.muli %while3A_219, %mul3A_225 : i32
          %add3A_227 = vector.broadcast %mul3A_226 : i32 to vector<16xi32>
          %add3A_228 = arith.addi %add3A_227, %iota3A : vector<16xi32>
          %lt3A = vector.broadcast %reduce_max3A_122 : i32 to vector<16xi32>
          %lt3A_229 = arith.cmpi slt, %add3A_228, %lt3A : vector<16xi32>
          %ge3A_230 = vector.broadcast %or3A_200 : i32 to vector<16xi32>
          %ge3A_231 = arith.cmpi sge, %bitcast3A_224, %ge3A_230 : vector<16xi32>
          %and3A = arith.andi %lt3A_229, %ge3A_231 : vector<16xi1>
          %jit3A = arith.constant 1 : i32
          %jit3A_232 = arith.constant 0 : i32
          %broadcast_in_dim3A_233 = vector.broadcast %jit3A : i32 to vector<16xi32>
          %broadcast_in_dim3A_234 = vector.broadcast %jit3A_232 : i32 to vector<16xi32>
          %select_n3A_235 = arith.select %and3A, %broadcast_in_dim3A_233, %broadcast_in_dim3A_234 : vector<16xi1>, vector<16xi32>
          %add3A_236 = arith.addi %while3A_220, %select_n3A_235 : vector<16xi32>
          scf.yield %add3A_236 : vector<16xi32>
        }
        %while3A_212 = arith.constant 1 : i32
        %while3A_213 = scf.for %while3A_219 = %while3A_209 to %while3A_205 step %while3A_212 iter_args(%while3A_220 = %while3A_211) -> (vector<16xi32>)  : i32 {
          %mul3A_221 = arith.constant 16 : i32
          %mul3A_222 = arith.muli %while3A_219, %mul3A_221 : i32
          %get3A = arith.index_cast %mul3A_222 : i32 to index
          %get3A_223 = tpu.vector_load %arg6[%get3A] {strides = array<i32>} : memref<32768xf32, #tpu.memory_space<vmem>>, vector<16xf32>,
          %bitcast3A_224 = vector.bitcast %get3A_223 : vector<16xf32> to vector<16xi32>
          %mul3A_225 = arith.constant 16 : i32
          %mul3A_226 = arith.muli %while3A_219, %mul3A_225 : i32
          %add3A_227 = vector.broadcast %mul3A_226 : i32 to vector<16xi32>
          %add3A_228 = arith.addi %add3A_227, %iota3A : vector<16xi32>
          %lt3A = vector.broadcast %reduce_max3A_122 : i32 to vector<16xi32>
          %lt3A_229 = arith.cmpi slt, %add3A_228, %lt3A : vector<16xi32>
          %ge3A_230 = vector.broadcast %or3A_200 : i32 to vector<16xi32>
          %ge3A_231 = arith.cmpi sge, %bitcast3A_224, %ge3A_230 : vector<16xi32>
          %and3A = arith.andi %lt3A_229, %ge3A_231 : vector<16xi1>
          %jit3A = arith.constant 1 : i32
          %jit3A_232 = arith.constant 0 : i32
          %broadcast_in_dim3A_233 = vector.broadcast %jit3A : i32 to vector<16xi32>
          %broadcast_in_dim3A_234 = vector.broadcast %jit3A_232 : i32 to vector<16xi32>
          %select_n3A_235 = arith.select %and3A, %broadcast_in_dim3A_233, %broadcast_in_dim3A_234 : vector<16xi1>, vector<16xi32>
          %add3A_236 = arith.addi %while3A_220, %select_n3A_235 : vector<16xi32>
          scf.yield %add3A_236 : vector<16xi32>
        }
        %reduce_sum3A_214 = arith.constant true
        %reduce_sum3A_215 = vector.broadcast %reduce_sum3A_214 : i1 to vector<16xi1>
        %reduce_sum3A_216 = tpu.scan <sum>, %while3A_213 masked %reduce_sum3A_215 : vector<16xi32>, vector<16xi1> -> vector<16xi32>
        %reduce_sum3A_217 = vector.extract %reduce_sum3A_216[15] : i32 from vector<16xi32>
        %ge3A = arith.cmpi sge, %reduce_sum3A_217, %sub3A_95 : i32
        %or3A_218 = arith.ori %scan3A_194, %shift_left3A_198 : i32
        %select_n3A = arith.select %ge3A, %or3A_218, %scan3A_194 : i32
        scf.yield %select_n3A : i32
      }
      %scan3A_138 = arith.constant 15 : i32
      %or3A_139 = arith.ori %or3A_131, %scan3A_137 : i32
      %while3A_140 = arith.constant 0 : i32
      %while3A_141 = arith.subi %div3A_126, %while3A_140 : i32
      %while3A_142 = arith.addi %while3A_140, %while3A_141 : i32
      %while3A_143 = arith.constant 1 : i32
      %while3A_144 = arith.divsi %while3A_141, %while3A_143 : i32
      %while3A_145 = arith.muli %while3A_144, %while3A_143 : i32
      %while3A_146 = arith.addi %while3A_140, %while3A_145 : i32
      %while3A_147 = arith.constant 1 : i32
      %while3A_148 = scf.for %while3A_193 = %while3A_140 to %while3A_146 step %while3A_147 iter_args(%while3A_194 = %while3A_114#1) -> (vector<16xf32>)  : i32 {
        %mul3A_195 = arith.constant 16 : i32
        %mul3A_196 = arith.muli %while3A_193, %mul3A_195 : i32
        %get3A = arith.index_cast %mul3A_196 : i32 to index
        %get3A_197 = tpu.vector_load %arg6[%get3A] {strides = array<i32>} : memref<32768xf32, #tpu.memory_space<vmem>>, vector<16xf32>,
        %bitcast3A_198 = vector.bitcast %get3A_197 : vector<16xf32> to vector<16xi32>
        %mul3A_199 = arith.constant 16 : i32
        %mul3A_200 = arith.muli %while3A_193, %mul3A_199 : i32
        %add3A_201 = vector.broadcast %mul3A_200 : i32 to vector<16xi32>
        %add3A_202 = arith.addi %add3A_201, %iota3A : vector<16xi32>
        %lt3A = vector.broadcast %reduce_max3A_122 : i32 to vector<16xi32>
        %lt3A_203 = arith.cmpi slt, %add3A_202, %lt3A : vector<16xi32>
        %ge3A = vector.broadcast %or3A_139 : i32 to vector<16xi32>
        %ge3A_204 = arith.cmpi sge, %bitcast3A_198, %ge3A : vector<16xi32>
        %and3A = arith.andi %lt3A_203, %ge3A_204 : vector<16xi1>
        %mul3A_205 = arith.mulf %get3A_197, %get3A_197 : vector<16xf32>
        %jit3A = arith.constant 0.000000e+00 : f32
        %broadcast_in_dim3A_206 = vector.broadcast %jit3A : f32 to vector<16xf32>
        %select_n3A = arith.select %and3A, %mul3A_205, %broadcast_in_dim3A_206 : vector<16xi1>, vector<16xf32>
        %add3A_207 = arith.addf %while3A_194, %select_n3A : vector<16xf32>
        scf.yield %add3A_207 : vector<16xf32>
      }
      %while3A_149 = arith.constant 1 : i32
      %while3A_150 = scf.for %while3A_193 = %while3A_146 to %while3A_142 step %while3A_149 iter_args(%while3A_194 = %while3A_148) -> (vector<16xf32>)  : i32 {
        %mul3A_195 = arith.constant 16 : i32
        %mul3A_196 = arith.muli %while3A_193, %mul3A_195 : i32
        %get3A = arith.index_cast %mul3A_196 : i32 to index
        %get3A_197 = tpu.vector_load %arg6[%get3A] {strides = array<i32>} : memref<32768xf32, #tpu.memory_space<vmem>>, vector<16xf32>,
        %bitcast3A_198 = vector.bitcast %get3A_197 : vector<16xf32> to vector<16xi32>
        %mul3A_199 = arith.constant 16 : i32
        %mul3A_200 = arith.muli %while3A_193, %mul3A_199 : i32
        %add3A_201 = vector.broadcast %mul3A_200 : i32 to vector<16xi32>
        %add3A_202 = arith.addi %add3A_201, %iota3A : vector<16xi32>
        %lt3A = vector.broadcast %reduce_max3A_122 : i32 to vector<16xi32>
        %lt3A_203 = arith.cmpi slt, %add3A_202, %lt3A : vector<16xi32>
        %ge3A = vector.broadcast %or3A_139 : i32 to vector<16xi32>
        %ge3A_204 = arith.cmpi sge, %bitcast3A_198, %ge3A : vector<16xi32>
        %and3A = arith.andi %lt3A_203, %ge3A_204 : vector<16xi1>
        %mul3A_205 = arith.mulf %get3A_197, %get3A_197 : vector<16xf32>
        %jit3A = arith.constant 0.000000e+00 : f32
        %broadcast_in_dim3A_206 = vector.broadcast %jit3A : f32 to vector<16xf32>
        %select_n3A = arith.select %and3A, %mul3A_205, %broadcast_in_dim3A_206 : vector<16xi1>, vector<16xf32>
        %add3A_207 = arith.addf %while3A_194, %select_n3A : vector<16xf32>
        scf.yield %add3A_207 : vector<16xf32>
      }
      %reduce_sum3A = arith.constant true
      %reduce_sum3A_151 = vector.broadcast %reduce_sum3A : i1 to vector<16xi1>
      %reduce_sum3A_152 = tpu.scan <sum>, %while3A_150 masked %reduce_sum3A_151 : vector<16xf32>, vector<16xi1> -> vector<16xf32>
      %reduce_sum3A_153 = vector.extract %reduce_sum3A_152[15] : f32 from vector<16xf32>
      %broadcast_in_dim3A_154 = vector.broadcast %reduce_sum3A_153 : f32 to vector<16xf32>
      %bitcast3A = vector.bitcast %broadcast_in_dim3A_154 : vector<16xf32> to vector<16xi32>
      %shift_right_logical3A = arith.constant 1 : i32
      %shift_right_logical3A_155 = vector.broadcast %shift_right_logical3A : i32 to vector<16xi32>
      %shift_right_logical3A_156 = arith.shrui %bitcast3A, %shift_right_logical3A_155 : vector<16xi32>
      %add3A_157 = arith.constant 532487669 : i32
      %add3A_158 = vector.broadcast %add3A_157 : i32 to vector<16xi32>
      %add3A_159 = arith.addi %shift_right_logical3A_156, %add3A_158 : vector<16xi32>
      %bitcast3A_160 = vector.bitcast %add3A_159 : vector<16xi32> to vector<16xf32>
      %div3A_161 = arith.divf %broadcast_in_dim3A_154, %bitcast3A_160 : vector<16xf32>
      %add3A_162 = arith.addf %bitcast3A_160, %div3A_161 : vector<16xf32>
      %mul3A_163 = arith.constant 5.000000e-01 : f32
      %mul3A_164 = vector.broadcast %mul3A_163 : f32 to vector<16xf32>
      %mul3A_165 = arith.mulf %mul3A_164, %add3A_162 : vector<16xf32>
      %div3A_166 = arith.divf %broadcast_in_dim3A_154, %mul3A_165 : vector<16xf32>
      %add3A_167 = arith.addf %mul3A_165, %div3A_166 : vector<16xf32>
      %mul3A_168 = arith.constant 5.000000e-01 : f32
      %mul3A_169 = vector.broadcast %mul3A_168 : f32 to vector<16xf32>
      %mul3A_170 = arith.mulf %mul3A_169, %add3A_167 : vector<16xf32>
      %div3A_171 = arith.divf %broadcast_in_dim3A_154, %mul3A_170 : vector<16xf32>
      %add3A_172 = arith.addf %mul3A_170, %div3A_171 : vector<16xf32>
      %mul3A_173 = arith.constant 5.000000e-01 : f32
      %mul3A_174 = vector.broadcast %mul3A_173 : f32 to vector<16xf32>
      %mul3A_175 = arith.mulf %mul3A_174, %add3A_172 : vector<16xf32>
      %div3A_176 = arith.divf %broadcast_in_dim3A_154, %mul3A_175 : vector<16xf32>
      %add3A_177 = arith.addf %mul3A_175, %div3A_176 : vector<16xf32>
      %mul3A_178 = arith.constant 5.000000e-01 : f32
      %mul3A_179 = vector.broadcast %mul3A_178 : f32 to vector<16xf32>
      %mul3A_180 = arith.mulf %mul3A_179, %add3A_177 : vector<16xf32>
      %add3A_181 = arith.constant 9.99999997E-7 : f32
      %add3A_182 = vector.broadcast %add3A_181 : f32 to vector<16xf32>
      %add3A_183 = arith.addf %mul3A_180, %add3A_182 : vector<16xf32>
      %div3A_184 = arith.constant 1.000000e+00 : f32
      %div3A_185 = vector.broadcast %div3A_184 : f32 to vector<16xf32>
      %div3A_186 = arith.divf %div3A_185, %add3A_183 : vector<16xf32>
      %scan3A_187 = arith.constant 0 : i32
      %scan3A_188 = arith.constant 0 : i32
      %scan3A_189 = arith.constant 2048 : i32
      %scan3A_190 = arith.addi %scan3A_188, %scan3A_189 : i32
      %scan3A_191 = arith.constant 1 : i32
      scf.for %scan3A_193 = %scan3A_188 to %scan3A_190 step %scan3A_191  : i32 {
        %mul3A_194 = arith.constant 16 : i32
        %mul3A_195 = arith.muli %scan3A_193, %mul3A_194 : i32
        %get3A = arith.index_cast %mul3A_195 : i32 to index
        %get3A_196 = tpu.vector_load %arg4[%get3A] {strides = array<i32>} : memref<32768xf32, #tpu.memory_space<vmem>>, vector<16xf32>,
        %abs3A = math.absf %get3A_196 : vector<16xf32>
        %bitcast3A_197 = vector.bitcast %abs3A : vector<16xf32> to vector<16xi32>
        %ge3A = vector.broadcast %or3A_139 : i32 to vector<16xi32>
        %ge3A_198 = arith.cmpi sge, %bitcast3A_197, %ge3A : vector<16xi32>
        %mul3A_199 = arith.mulf %get3A_196, %div3A_186 : vector<16xf32>
        %jit3A = arith.constant 0.000000e+00 : f32
        %broadcast_in_dim3A_200 = vector.broadcast %jit3A : f32 to vector<16xf32>
        %select_n3A = arith.select %ge3A_198, %mul3A_199, %broadcast_in_dim3A_200 : vector<16xi1>, vector<16xf32>
        %mul3A_201 = arith.constant 16 : i32
        %mul3A_202 = arith.muli %scan3A_193, %mul3A_201 : i32
        %swap3A = arith.index_cast %mul3A_202 : i32 to index
        %swap3A_203 = tpu.vector_load %arg4[%swap3A] {strides = array<i32>} : memref<32768xf32, #tpu.memory_space<vmem>>, vector<16xf32>,
        tpu.vector_store %arg4[%swap3A], %select_n3A {strides = array<i32>} : memref<32768xf32, #tpu.memory_space<vmem>>, vector<16xf32>,
      }
      %scan3A_192 = arith.constant 2048 : i32
      "tpu.region"() ({
        %run_scoped3A = tpu.sem_alloc : memref<!tpu.dma_semaphore, #tpu.memory_space<semaphore_mem>>
        %dma_start3A = arith.constant 0 : i32
        %dma_start3A_193 = tpu.memref_slice %arg3[%add3A_10, %dma_start3A] : memref<128x32768xf32, #tpu.memory_space<hbm>> -> memref<1x32768xf32, #tpu.memory_space<hbm>>
        %dma_start3A_194 = tpu.memref_squeeze %dma_start3A_193 : memref<1x32768xf32, #tpu.memory_space<hbm>> -> memref<32768xf32, #tpu.memory_space<hbm>>
        %dma_start3A_195 = arith.constant 0 : i32
        %dma_start3A_196 = tpu.memref_slice %arg3[%add3A_10, %dma_start3A_195] : memref<128x32768xf32, #tpu.memory_space<hbm>> -> memref<1x32768xf32, #tpu.memory_space<hbm>>
        %dma_start3A_197 = tpu.memref_squeeze %dma_start3A_196 : memref<1x32768xf32, #tpu.memory_space<hbm>> -> memref<32768xf32, #tpu.memory_space<hbm>>
        tpu.enqueue_dma source(%arg4 : memref<32768xf32, #tpu.memory_space<vmem>>) target(%dma_start3A_197 : memref<32768xf32, #tpu.memory_space<hbm>>) target_semaphore(%run_scoped3A : memref<!tpu.dma_semaphore, #tpu.memory_space<semaphore_mem>>)
        %dma_wait3A = arith.constant 0 : i32
        %dma_wait3A_198 = tpu.memref_slice %arg3[%add3A_10, %dma_wait3A] : memref<128x32768xf32, #tpu.memory_space<hbm>> -> memref<1x32768xf32, #tpu.memory_space<hbm>>
        %dma_wait3A_199 = tpu.memref_squeeze %dma_wait3A_198 : memref<1x32768xf32, #tpu.memory_space<hbm>> -> memref<32768xf32, #tpu.memory_space<hbm>>
        %dma_wait3A_200 = arith.constant 0 : i32
        %dma_wait3A_201 = tpu.memref_slice %arg3[%add3A_10, %dma_wait3A_200] : memref<128x32768xf32, #tpu.memory_space<hbm>> -> memref<1x32768xf32, #tpu.memory_space<hbm>>
        %dma_wait3A_202 = tpu.memref_squeeze %dma_wait3A_201 : memref<1x32768xf32, #tpu.memory_space<hbm>> -> memref<32768xf32, #tpu.memory_space<hbm>>
        tpu.wait_dma2 semaphore(%run_scoped3A : memref<!tpu.dma_semaphore, #tpu.memory_space<semaphore_mem>>) src(%arg4 : memref<32768xf32, #tpu.memory_space<vmem>>) dst(%dma_wait3A_202 : memref<32768xf32, #tpu.memory_space<hbm>>)
        tpu.yield
      }) : () -> ()
    }
    %scan3A_6 = arith.constant 4 : i32
    return
  }
}

</mosaic_0001>

<sc_bundles>
// kernel: kernel.3.cloned.1.call-start
scs
__scs_entry_jumppad:
0x0: {  	(pc) =	sbr.rel $0x88, $3  }
0x1: {  	(tag) =	ssettag $0x0;
	lr =	simm.s32 $0x1  }
0x2: {  	[smem:$0x3FA0] =	sst lr;
	_ =	strace $0xD0000000  }
0x3: {  	_ = 	snop  }
0x4: {  	_ = 	snop  }
0x5: {  	_ = 	snop  }
0x6: {  	_ = 	snop  }
0x7: {  	_ = 	snop  }
__scs_overlays_trampoline_lowered:
0x8: {  	[smem:$0x3FAF] =	sst s0  }
0x9: {  	[smem:$0x3FB0] =	sst s1  }
0xa: {  	[smem:$0x3FB1] =	sst s2  }
0xb: {  	[smem:$0x3FB2] =	sst s3  }
0xc: {  	[smem:$0x3FB3] =	sst s4  }
0xd: {  	[smem:$0x3FB4] =	sst s5  }
0xe: {  	[smem:$0x3FB5] =	sst s6  }
0xf: {  	[smem:$0x3FB6] =	sst s7  }
0x10: {  	[smem:$0x3FB7] =	sst s8  }
0x11: {  	[smem:$0x3FB8] =	sst s9;
	s0 =	simm.s32 @!p0 $0x0  }
0x12: {  	s1 =	sld [smem:$0x3F9E];
	s0 =	simm.s32 @p0 $0x1  }
0x13: {  	[smem:$0x3FB9] =	sst s0;
	s0 =	simm.s32 @!p1 $0x0  }
0x14: {  	s2 =	sld [smem:$0x3F9D];
	s0 =	simm.s32 @p1 $0x1  }
0x15: {  	[smem:$0x3FBA] =	sst s0;
	s0 =	simm.s32 @!p2 $0x0  }
0x16: {  	s3 =	sld [smem:$0x3FDB];
	s0 =	simm.s32 @p2 $0x1  }
0x17: {  	s4 =	simm.s32 $0x1BF5;
	[smem:$0x3FBC] =	sst s0  }
0x18: {  	s0 =	sld [smem:$0x3F9F];
	_ =	swait.ge [sflag:s4], $0x0  }
0x19: {  	s7 =	sld [smem:$0x3FA0]  }
0x1a: {  	s8 =	sadd.s32 $0xFFFFE003, lr  }
0x1b: {  	s9 =	sadd.s32 $0xFFFFFEF7, lr;
	s5 =	simm.s32 $0xFFFFFFFF;
	p2 =	slt.u32 s8, $0xFFFFF086  }
0x1c: {  	p1 =	slt.u32 s9, $0xF7A;
	s5 =	simm.s32 @!p2 $0x0  }
0x1d: {  	s5 =	simm.s32 @p1 $0x1;
	p0 =	seq.s32 s7, s2  }
0x1e: {  	s7 =	smul.u32 @!p0 $0xF7A, s2;
	p2 =	seq.s32 @!p0 s5, $0x0  }
0x1f: {  	s9 =	smul.u32 $0xF7A, s1;
	s8 =	simm.s32 @!p0 $0x1BF5;
	p2 =	por !p2, p0  }
0x20: {  	[sflag:s8] =	ssyncset.s32 @!p0 $0xFFFFF086;
	s6 =	sadd.s32 @!p0 s3, s7;
	s7 =	simm.s32 @!p0 $0x108  }
0x21: {  	s3 =	sadd.s32 s3, s9;
	s6 =	sadd.s32 @!p0 $0x88, s6;
	s7 =	simm.s32 @p2 $0x1082  }
0x22: {  	[simem:s7], [sflag:s8] =	dma.local @!p0 [hbm:s6], $0xF7A  }
0x23: {  	s9 =	sor.u32 $0xD0000000, s2;
	s6 =	simm.s32 $0x108;
	_ =	swait.ge @!p0 [sflag:s8], $0x0  }
0x24: {  	s3 =	sadd.s32 $0x88, s3;
	s6 =	simm.s32 @!p1 $0x1082;
	[sflag:s4] =	ssyncset.s32 $0xFFFFF086  }
0x25: {  	[simem:s6], [sflag:s4] =	dma.local [hbm:s3], $0xF7A  }
0x26: {  	[smem:$0x3FA0] =	sst s1;
	(tag) =	ssettag s2;
	_ =	strace s9  }
0x27: {  	s1 =	sld [smem:$0x3FB0]  }
0x28: {  	s2 =	sld [smem:$0x3FB1]  }
0x29: {  	s4 =	sld [smem:$0x3FB3]  }
0x2a: {  	p0 =	seq.s32 s5, $0x0;
	s5 =	sld [smem:$0x3FB4]  }
0x2b: {  	s6 =	sld [smem:$0x3FB5]  }
0x2c: {  	s7 =	sld [smem:$0x3FB6]  }
0x2d: {  	s3 =	simm.s32 $0x108;
	s8 =	sld [smem:$0x3FB7]  }
0x2e: {  	s3 =	simm.s32 @!p0 $0x1082;
	s9 =	sld [smem:$0x3FB8]  }
0x2f: {  	lr =	sadd.s32 s0, s3;
	s0 =	sld [smem:$0x3FAF]  }
0x30: {  	s3 =	sld [smem:$0x3FB2]  }
0x31: {  	[smem:$0x3FBB] =	sst s10  }
0x32: {  	s10 =	sld [smem:$0x3FB9];
	_ =	sdelay $0x3  }
0x33: {  	p0 =	seq.s32 s10, $0x1;
	s10 =	sld [smem:$0x3FBB];
	_ =	sdelay $0x3  }
0x34: {  	[smem:$0x3FBB] =	sst s10  }
0x35: {  	s10 =	sld [smem:$0x3FBA];
	_ =	sdelay $0x3  }
0x36: {  	p1 =	seq.s32 s10, $0x1;
	s10 =	sld [smem:$0x3FBB];
	_ =	sdelay $0x3  }
0x37: {  	[smem:$0x3FBB] =	sst s10  }
0x38: {  	s10 =	sld [smem:$0x3FBC]  }
0x39: {  	_ = 	snop;
	(pc) =	sbr.ind lr, $3  }
0x3a: {  	_ = 	snop  }
0x3b: {  	_ = 	snop  }
0x3c: {  	p2 =	seq.s32 s10, $0x1;
	s10 =	sld [smem:$0x3FBB]  }
0x3d: {  	_ =	shalt  }
0x3e: {  	_ =	shalt  }
0x3f: {  	_ =	shalt  }
0x40: {  	_ =	shalt  }
0x41: {  	_ =	shalt  }
0x42: {  	_ =	shalt  }
0x43: {  	_ =	shalt  }
0x44: {  	_ =	shalt  }
0x45: {  	_ =	shalt  }
0x46: {  	_ =	shalt  }
0x47: {  	_ =	shalt  }
0x48: {  	_ =	shalt  }
0x49: {  	_ =	shalt  }
0x4a: {  	_ =	shalt  }
0x4b: {  	_ =	shalt  }
0x4c: {  	_ =	shalt  }
0x4d: {  	_ =	shalt  }
0x4e: {  	_ =	shalt  }
0x4f: {  	_ =	shalt  }
0x50: {  	_ =	shalt  }
0x51: {  	_ =	shalt  }
0x52: {  	_ =	shalt  }
0x53: {  	_ =	shalt  }
0x54: {  	_ =	shalt  }
0x55: {  	_ =	shalt  }
0x56: {  	_ =	shalt  }
0x57: {  	_ =	shalt  }
0x58: {  	_ =	shalt  }
0x59: {  	_ =	shalt  }
0x5a: {  	_ =	shalt  }
0x5b: {  	_ =	shalt  }
0x5c: {  	_ =	shalt  }
0x5d: {  	_ =	shalt  }
0x5e: {  	_ =	shalt  }
0x5f: {  	_ =	shalt  }
0x60: {  	_ =	shalt  }
0x61: {  	_ =	shalt  }
0x62: {  	_ =	shalt  }
0x63: {  	_ =	shalt  }
0x64: {  	_ =	shalt  }
0x65: {  	_ =	shalt  }
0x66: {  	_ =	shalt  }
0x67: {  	_ =	shalt  }
0x68: {  	_ =	shalt  }
0x69: {  	_ =	shalt  }
0x6a: {  	_ =	shalt  }
0x6b: {  	_ =	shalt  }
0x6c: {  	_ =	shalt  }
0x6d: {  	_ =	shalt  }
0x6e: {  	_ =	shalt  }
0x6f: {  	_ =	shalt  }
0x70: {  	_ =	shalt  }
0x71: {  	_ =	shalt  }
0x72: {  	_ =	shalt  }
0x73: {  	_ =	shalt  }
0x74: {  	_ =	shalt  }
0x75: {  	_ =	shalt  }
0x76: {  	_ =	shalt  }
0x77: {  	_ =	shalt  }
0x78: {  	_ =	shalt  }
0x79: {  	_ =	shalt  }
0x7a: {  	_ =	shalt  }
0x7b: {  	_ =	shalt  }
0x7c: {  	_ =	shalt  }
0x7d: {  	_ =	shalt  }
0x7e: {  	_ =	shalt  }
0x7f: {  	_ =	shalt  }
0x80: {  	_ =	shalt  }
0x81: {  	_ =	shalt  }
0x82: {  	_ =	shalt  }
0x83: {  	_ =	shalt  }
0x84: {  	_ =	shalt  }
0x85: {  	_ =	shalt  }
0x86: {  	_ =	shalt  }
0x87: {  	_ =	shalt  }
.Lfunc_end0:
.L_simem_size_0:
called_computation_lowered:
.L_overlay_start_0:
0x88: {  	s2 =	sld [smem:$0x3FD9]  }
0x89: {  	s3 =	sld [smem:$0x3FFE];
	_ =	sdelay $0x1  }
0x8a: {  	s1 =	srdreg.scid  }
0x8b: {  	s0 =	sand.u32 $0x1, s1  }
0x8c: {  	s18 =	sshll.u32 s0, $0xA;
	s2 =	sadd.s32 s3, s2  }
0x8d: {  	s2 =	sadd.s32 s2, s18  }
0x8e: {  	[smem:$0x3FC7] =	sst s2  }
0x8f: {  	_ = 	snop  }
0x90: {  	s2 =	sld [smem:$0x3FC9]  }
0x91: {  	s19 =	sld [smem:$0x3FD0];
	(tm) =	ssettm $0x1  }
0x92: {  	s4 =	sld [smem:$0x3FFB];
	_ =	sdelay $0x3  }
0x93: {  	_ =	strace s4  }
0x94: {  	s4 =	sld [smem:$0x3FFC];
	_ =	sdelay $0x3  }
0x95: {  	_ =	strace s4  }
0x96: {  	s4 =	sld [smem:$0x3FFD];
	_ =	sdelay $0x3  }
0x97: {  	_ =	strace s4  }
0x98: {  	_ =	strace $0x8FFFFFFF  }
0x99: {  	s20 =	sld [smem:$0x3FDB];
	_ =	sdelay $0x1  }
0x9a: {  	s5 =	simm.s32 $_scs_section_size  }
0x9b: {  	s6 =	simm.s32 $_size__tile_overlayer_lowered;
	s7 =	simm.s32 $_tile_overlayer_lowered  }
0x9c: {  	s23 =	simm.s32 $0x1BFF;
	s22 =	sshll.u32 s7, $0x1;
	s4 =	sadd.s32 s5, s20  }
0x9d: {  	s8 =	simm.s32 $0x0;
	s21 =	sshll.u32 s6, $0x1;
	s6 =	sadd.s32 s22, s4  }
0x9e: {  	[timem:s8], [sflag:s23] =	dma.local [hbm:s6], s21  }
0x9f: {  	_ =	swait.ge [sflag:s23], s21  }
0xa0: {  	s5 =	ssub.s32 $0x0, s21;
	[sflag:s23] =	ssyncset.done $0x0  }
0xa1: {  	[sflag:s23] =	ssyncadd.s32 s5;
	_ =	sdelay $0x1  }
0xa2: {  	s24 =	simm.s32 $0x1B8B  }
0xa3: {  	_ =	swait.ge [sflag:s24], $0x1  }
0xa4: {  	[sflag:s24] =	ssyncset.done $0x0  }
0xa5: {  	s25 =	simm.s32 $0x1B8E;
	[sflag:s24] =	ssyncadd.s32 $0xFFFFFFFF  }
0xa6: {  	s26 =	simm.s32 $execute0_lowered;
	[smem:$0x3FD2] =	sst s25  }
0xa7: {  	s5 =	sshll.u32 s26, $0x1;
	_ =	strace $0x80000046;
	[dreg:$0x1] =	wrdreg $0xFFFFFFFF  }
0xa8: {  	s28 =	simm.s32 $_size_execute0_lowered;
	s4 =	sadd.s32 s4, s5;
	[dreg:$0x0] =	wrdreg $0x0  }
0xa9: {  	s5 =	sshll.u32 s28, $0x1;
	[dreg:$0x2] =	wrdreg s4  }
0xaa: {  	[dreg:$0x3] =	wrdreg s5  }
0xab: {  	[dreg:$0x4] =	wrdreg $0xC0  }
0xac: {  	_ =	task [dreg:s8], $0x5FFFF  }
0xad: {  	[dreg:$0x1] =	wrdreg $0xFFFFFFFF  }
0xae: {  	[dreg:$0x0] =	wrdreg $0x60  }
0xaf: {  	[dreg:$0x2] =	wrdreg s2  }
0xb0: {  	[dreg:$0x3] =	wrdreg s19  }
0xb1: {  	[dreg:$0x4] =	wrdreg $0x9  }
0xb2: {  	_ =	task.clear_ibuf [dreg:s8], $0x5FFFF;
	_ =	strace $0x90000046  }
0xb3: {  	s29 =	simm.s32 $0x9;
	_ =	strace $0x80000048  }
0xb4: {  	_ =	swait.ge [sflag:s29], $0x1  }
0xb5: {  	[sflag:s29] =	ssyncadd.s32 $0xFFFFFFFF  }
0xb6: {  	_ =	strace $0x90000048  }
0xb7: {  	_ =	sfence  }
0xb8: {  	s30 =	sld [smem:$0x0];
	_ =	sdelay $0x2  }
0xb9: {  	s31 =	sshll.u32 s1, $0xD;
	s1 =	sshrl.u32 s1, $0x2  }
0xba: {  	s3 =	sand.u32 $0x4000, s31;
	s1 =	sadd.s32 s1, s30  }
0xbb: {  	s0 =	sor.u32 s3, s0;
	s1 =	sshll.u32 s1, $0x11  }
0xbc: {  	s0 =	sor.u32 s1, s0  }
0xbd: {  	s0 =	sadd.s32 $0x8F2B, s0  }
0xbe: {  	[sflag:s0] =	ssyncadd.remote.s32 $0x1  }
0xbf: {  	_ =	sfence.sel $0xFFFF  }
0xc0: {  	[dreg:$0x0] =	wrdreg $0xFFFFFFFF;
	(pc) =	sbr.abs _section_cstart, $3  }
0xc1: {  	[dreg:$0x1] =	wrdreg $0xFFFFFFFF  }
0xc2: {  	_ =	task.clear_ibuf [dreg:s8], $0x2FFFF;
	_ =	strace $0x9FFFFFFF  }
0xc3: {  	(tm) =	ssettm $0x7FFFFFFF  }
tec
execute0_lowered:
.L_overlay_start_1:
0x0: {  	(tag) =	ssettag $0x1  }
0x1: {  	s1 =	rddreg [dreg:$0x0]  }
0x2: {  	s2 =	rddreg [dreg:$0x1]  }
0x3: {  	s3 =	srdreg.scid;
	s0 =	rddreg [dreg:$0x2]  }
0x4: {  	s4 =	simm.s32 $0x0;
	s9 =	simm.s32 $0x1;
	s10 =	simm.s32 $0x8000  }
0x5: {  	s11 =	simm.s32 $0x18000;
	s12 =	simm.s32 $0x10000;
	s13 =	simm.s32 $0x4000  }
.Ltmp0:
0x6: {  	s14 =	simm.s32 $0x0;
	s5 =	sand.u32 $0x1, s3;
	(pc) =	sbr.rel .LBB2_1-.Ltmp0, $4  }
0x7: {  	[smem:$0x7FF] =	sst s4;
	s3 =	stileid.u32;
	s6 =	ssub.s32 $0x2, s5  }
0x8: {  	s8 =	sshll.u32 s3, $0xF;
	s5 =	sshll.u32 s5, $0x6;
	s7 =	sshrl.u32 s6, $0x1  }
0x9: {  	_ =	strace $0x80000047;
	s5 =	sor.u32 s8, s5;
	s6 =	ssub.s32 s6, s7  }
0xa: {  	v0 =	vimm.s32 $0x0;
	v1 =	vlaneseq.u32;
	v2 =	vimm.s32 $0x1;
	s8 =	simm.s32 $0x400;
	s7 =	simm.s32 $0x80;
	s6 =	smax.u32 s6, $0x1  }
.LBB2_46:
0xb: {  	s14 =	sadd.s32 $0x1, s14  }
0xc: {  	p0 =	sne.s32 s14, s6  }
.Ltmp1:
0xd: {  	_ = 	snop;
	(pc) =	sbr.rel @!p0 .LBB2_47-.Ltmp1, $1  }
0xe: {  	_ =	sdelay $0x3  }
.LBB2_1:
0xf: {  	s15 =	simm.s32 $0x0  }
.LBB2_2:
0x10: {  	s16 =	sshll.u32 s15, $0x4  }
0x11: {  	s16 =	sadd.s32 s5, s16  }
0x12: {  	s18 =	simm.s32 $0x0;
	s17 =	sadd.s32 s1, s16  }
0x13: {  	[tilespmem:s18], [sflag:$0x1] =	stream.strided.gather [hbm4b:s17+s7], $0x8000, s8, s7, $0x38;
	[tilespmem:$0x19000] =	vst v63  }
0x14: {  	_ =	swait.ge [sflag:s9], $0x8000  }
0x15: {  	[sflag:s9] =	ssyncset.done $0x0  }
0x16: {  	s17 =	simm.s32 $0x40;
	s18 =	simm.s32 $0x0;
	[sflag:s9] =	ssyncadd.s32 $0xFFFF8000  }
.LBB2_3:
0x17: {  	p0 =	sne.s32 s17, $0x3FC0;
	[tilespmem:s18+$0x18000] =	vst v0;
	s18 =	smov.u32 s17;
	s17 =	sadd.s32 $0x40, s17  }
.Ltmp2:
0x18: {  	(pc) =	sbr.rel @p0 .LBB2_3-.Ltmp2, $2  }
0x19: {  	_ =	sdelay $0x2  }
0x1a: {  	s18 =	sshra.s32 s18, $0x2  }
0x1b: {  	[tilespmem:s18+$0x18000] =	vst v0;
	s19 =	simm.s32 $0x0;
	s17 =	simm.s32 $0x40  }
.LBB2_5:
0x1c: {  	p0 =	sne.s32 s17, $0x1FFC0;
	v3 =	vld [tilespmem:s19+$0x0];
	_ =	sdelay $0x4  }
0x1d: {  	v3 =	vshrl.u32 v3, $0x13  }
0x1e: {  	v3 =	vand.u32 $0xFF0, v3  }
0x1f: {  	v3 =	vor.u32 v1, v3  }
.Ltmp3:
0x20: {  	(pc) =	sbr.rel @p0 .LBB2_5-.Ltmp3, $3  }
0x21: {  	_ =	sdelay $0x1  }
0x22: {  	s18 =	simm.s32 $0x18000  }
0x23: {  	s19 =	sshra.s32 s17, $0x2;
	s17 =	sadd.s32 $0x40, s17;
	[tilespmem:v3+s18+$0x0] =	vst.idx.add.s32.msk $0xffff, v2  }
0x24: {  	v3 =	vld [tilespmem:s19+$0x0];
	_ =	sdelay $0x4  }
0x25: {  	v3 =	vshrl.u32 v3, $0x13  }
0x26: {  	v3 =	vand.u32 $0xFF0, v3  }
0x27: {  	v3 =	vor.u32 v1, v3;
	_ =	sdelay $0x4  }
0x28: {  	[tilespmem:v3+s18+$0x0] =	vst.idx.add.s32.msk $0xffff, v2  }
0x29: {  	v3 =	vld [tilespmem:s18+$0x0]  }
0x2a: {  	s17 =	simm.s32 $0x18010  }
0x2b: {  	v4 =	vld [tilespmem:s17+$0x0];
	_ =	sdelay $0x2  }
0x2c: {  	(xrf0) =	vadd.scan.msk.s32 $0xffff, v3;
	_ =	sdelay $0x1  }
0x2d: {  	(xrf0) =	vadd.scan.msk.s32 $0xffff, v4;
	_ =	sdelay $0x3  }
0x2e: {  	s30 =	simm.s32 $0x18020;
	v4, _, _ =	vpop (xrf0)  }
0x2f: {  	v5 =	vld [tilespmem:s30+$0x0];
	(v2sf) =	vpush v4, $0xF  }
0x30: {  	v4, _, _ =	vpop (xrf0)  }
0x31: {  	(v2sf) =	vpush v4, $0xF;
	_ =	sdelay $0x2  }
0x32: {  	s31 =	simm.s32 $0x18030;
	(xrf0) =	vadd.scan.msk.s32 $0xffff, v5  }
0x33: {  	v3 =	vld [tilespmem:s31+$0x0];
	_ =	sdelay $0x2  }
0x34: {  	s19 =	simm.s32 $0x0  }
0x35: {  	s20 =	simm.s32 $0x4;
	s21 =	simm.s32 $0x10;
	s23 =	simm.s32 $0x18040  }
0x36: {  	s22 =	simm.s32 $0x0;
	s17 =	simm.s32 $0x8;
	s18 =	simm.s32 $0xC;
	(xrf0) =	vadd.scan.msk.s32 $0xffff, v3;
	v3, _, _ =	vpop (xrf0)  }
.LBB2_7:
0x37: {  	v4 =	vld [tilespmem:s23+$0x0];
	p0 =	sne.s32 s21, $0x3FC;
	(v2sf) =	vpush v3, $0xF;
	s24 =	smov.u32 s21;
	s21 =	sadd.s32 $0x4, s21  }
.Ltmp4:
0x38: {  	(pc) =	sbr.rel @p0 .LBB2_7-.Ltmp4, $4  }
0x39: {  	_ = 	snop  }
0x3a: {  	s25 =	sshra.s32 s22, $0x2;
	s22 =	smov.u32 s20;
	s26 =	spop (v2sf)  }
0x3b: {  	s20 =	smov.u32 s17;
	s17 =	smov.u32 s18;
	[smem:s25] =	sst s26  }
0x3c: {  	s23 =	sadd.s32 $0x10, s23;
	s18 =	smov.u32 s24;
	(xrf0) =	vadd.scan.msk.s32 $0xffff, v4;
	v3, _, _ =	vpop (xrf0)  }
0x3d: {  	_ =	sdelay $0x4  }
0x3e: {  	(v2sf) =	vpush v3, $0xF;
	v3, _, _ =	vpop (xrf0)  }
0x3f: {  	(v2sf) =	vpush v3, $0xF;
	_ =	sdelay $0xb  }
0x40: {  	s21 =	spop (v2sf);
	s22 =	sshra.s32 s22, $0x2  }
0x41: {  	s20 =	sshra.s32 s20, $0x2;
	[smem:s22] =	sst s21;
	s28 =	spop (v2sf)  }
0x42: {  	s17 =	sshra.s32 s17, $0x2;
	[smem:s20] =	sst s28;
	s29 =	spop (v2sf)  }
0x43: {  	s30 =	sshra.s32 s18, $0x2;
	[smem:s17] =	sst s29;
	s31 =	spop (v2sf)  }
0x44: {  	[smem:s30] =	sst s31  }
0x45: {  	s18 =	sld [smem:$0xFF];
	_ =	sdelay $0x1  }
0x46: {  	p0 =	por $0x0, $0x0;
	s23 =	simm.s32 $0xFE;
	s22 =	simm.s32 $0xFE  }
0x47: {  	p3 =	por !p0, !p0;
	s20 =	simm.s32 $0x0;
	s21 =	sadd.s32 $0x0, s18  }
0x48: {  	s17 =	simm.s32 $0xFF;
	s18 =	simm.s32 $0x0;
	p1 =	sgt.s32 s21, $0xCCB  }
.LBB2_9:
0x49: {  	s24 =	sld [smem:s23+$0x0]  }
0x4a: {  	p3 =	por !p1, !p3;
	s25 =	smov.u32 s22;
	p2 =	sne.s32 s22, $0x0  }
.Ltmp5:
0x4b: {  	s22 =	sadd.s32 $0xFFFFFFFF, s22;
	p3 =	por !p3, !p3;
	(pc) =	sbr.rel @p2 .LBB2_9-.Ltmp5, $4  }
0x4c: {  	s19 =	smov.u32 @p3 s17;
	s18 =	smov.u32 @p3 s20;
	s17 =	smov.u32 s25  }
0x4d: {  	s20 =	smov.u32 s21  }
0x4e: {  	p0 =	por p0, p1;
	s21 =	sadd.s32 s21, s24  }
0x4f: {  	s23 =	sadd.s32 $0xFFFFFFFF, s23;
	p3 =	por !p0, !p0;
	p1 =	sgt.s32 s21, $0xCCB  }
0x50: {  	p0 =	por !p1, !p3  }
0x51: {  	p0 =	por !p0, !p0  }
0x52: {  	s19 =	smov.u32 @p0 s17  }
0x53: {  	s17 =	sshll.u32 s19, $0x17  }
0x54: {  	v4 =	vimm.s32 $0x0;
	v5 =	vimm.f32 $0.0e+00;
	s21 =	sadd.s32 $0x800000, s17  }
0x55: {  	v7 =	vimm.s32 $0x0;
	s18 =	smov.u32 @p0 s20;
	s20 =	simm.s32 $0x0;
	v6 =	vmov s19;
	s19 =	simm.s32 $0x40;
	v3 =	vmov s21  }
.LBB2_11:
0x56: {  	p0 =	seq.s32 s19, $0x1FFC0;
	v8 =	vld [tilespmem:s20+$0x0];
	_ =	sdelay $0x4  }
0x57: {  	v9 =	vand.u32 $0x7FFFFFFF, v8;
	v8 =	vmul.f32 v8, v8  }
0x58: {  	vm0 =	vgt.s32 v3, v9;
	v10 =	vshrl.u32 v9, $0x17  }
0x59: {  	v8 =	vsel vm0, $0x0, v8;
	vm0 =	veq.s32 v10, v6  }
0x5a: {  	v5 =	vadd.f32 v8, v5;
	v8 =	vsel vm0, $0x1, v0;
	v10 =	vmpcnt.ones.xlane vm0  }
0x5b: {  	(xrf0) =	vadd.scan.msk.s32 $0xffff, v8  }
0x5c: {  	v4 =	vadd.s32 v4, v10;
	_ =	sdelay $0x4  }
0x5d: {  	v8, _, _ =	vpop (xrf0)  }
0x5e: {  	v8 =	vadd.s32 v8, v7;
	v7 =	vmov v4  }
0x5f: {  	v8 =	vadd.s32 $0xFFFFFFFF, v8  }
.Ltmp6:
0x60: {  	(pc) =	sbr.rel @!p0 .LBB2_11-.Ltmp6, $2  }
0x61: {  	_ =	sdelay $0x2  }
0x62: {  	s20 =	sshra.s32 s19, $0x2;
	s19 =	sadd.s32 $0x40, s19;
	[tilespmem:v8+s10+$0x0] =	vst.idx.msk vm0, v9  }
0x63: {  	v8 =	vld [tilespmem:s20+$0x0];
	_ =	sdelay $0x4  }
0x64: {  	v9 =	vand.u32 $0x7FFFFFFF, v8  }
0x65: {  	v10 =	vshrl.u32 v9, $0x17  }
0x66: {  	vm0 =	veq.s32 v10, v6  }
0x67: {  	v6 =	vsel vm0, $0x1, v0  }
0x68: {  	(xrf0) =	vadd.scan.msk.s32 $0xffff, v6;
	_ =	sdelay $0x5  }
0x69: {  	v6, _, _ =	vpop (xrf0)  }
0x6a: {  	v6 =	vadd.s32 v6, v7  }
0x6b: {  	v6 =	vadd.s32 $0xFFFFFFFF, v6;
	_ =	sdelay $0x1  }
0x6c: {  	v7 =	vmul.f32 v8, v8  }
0x6d: {  	vm1 =	vgt.s32 v3, v9;
	v63 =	vmpcnt.ones.xlane vm0  }
0x6e: {  	v3 =	vsel vm1, $0x0, v7  }
0x6f: {  	s19 =	simm.s32 $0x40;
	s20 =	simm.s32 $0x0;
	v4 =	vadd.s32 v4, v63;
	v3 =	vadd.f32 v3, v5;
	[tilespmem:v6+s10+$0x0] =	vst.idx.msk vm0, v9  }
.LBB2_13:
0x70: {  	p0 =	seq.s32 s19, $0x3FC0;
	[tilespmem:s20+$0x18000] =	vst v0;
	s20 =	smov.u32 s19;
	s19 =	sadd.s32 $0x40, s19  }
.Ltmp7:
0x71: {  	(pc) =	sbr.rel @!p0 .LBB2_13-.Ltmp7, $2  }
0x72: {  	_ =	sdelay $0x2  }
0x73: {  	s20 =	sshra.s32 s20, $0x2  }
0x74: {  	v4 =	vxor.u32 $0x80000000, v4  }
0x75: {  	(xrf0) =	vmax.scan.msk.u32 $0xffff, v4;
	_ =	sdelay $0x5  }
0x76: {  	v4, _, _ =	vpop (xrf0)  }
0x77: {  	(v2sf) =	vpush v4, $0xF;
	_ =	sdelay $0xe  }
0x78: {  	s19 =	spop (v2sf)  }
0x79: {  	s30 =	sadd.s32 $0x8000000F, s19  }
0x7a: {  	p0 =	slt.s32 s30, $0x10  }
.Ltmp8:
0x7b: {  	_ = 	snop;
	(pc) =	sbr.rel @p0 .LBB2_21-.Ltmp8, $4  }
0x7c: {  	s21 =	sshra.s32 s30, $0x1F  }
0x7d: {  	s21 =	sshrl.u32 s21, $0x1C  }
0x7e: {  	s22 =	sxor.u32 $0x80000000, s19;
	s31 =	sadd.s32 s21, s30  }
0x7f: {  	[tilespmem:s20+$0x18000] =	vst v0;
	v4 =	vmov s22;
	s19 =	sshra.s32 s31, $0x4  }
0x80: {  	p2 =	sne.s32 s19, $0x1  }
.Ltmp9:
0x81: {  	_ = 	snop;
	(pc) =	sbr.rel @!p2 .LBB2_16-.Ltmp9, $3  }
0x82: {  	_ =	sdelay $0x1  }
0x83: {  	s21 =	simm.s32 $0x8000  }
0x84: {  	s20 =	simm.s32 $0x0;
	p1 =	por $0x0, $0x0;
	v5 =	vld [tilespmem:s21+$0x0];
	s21 =	sadd.s32 $0xFFFFFFFF, s19  }
0x85: {  	_ =	sdelay $0x3  }
0x86: {  	v6 =	vor.u32 s20, v1;
	v5 =	vshrl.u32 v5, $0xB  }
0x87: {  	vm0 =	vlt.s32 v6, v4;
	v5 =	vand.u32 $0xFF0, v5  }
0x88: {  	v5 =	vor.u32 v1, v5  }
0x89: {  	p2 =	sne.s32 s21, $0x1  }
.Ltmp10:
0x8a: {  	_ = 	snop;
	(pc) =	sbr.rel @!p2 .LBB2_18-.Ltmp10, $3  }
0x8b: {  	_ =	sdelay $0x1  }
0x8c: {  	s22 =	simm.s32 $0x8010;
	[tilespmem:v5+s11+$0x0] =	vst.idx.add.s32.msk vm0, v2  }
0x8d: {  	s23 =	sadd.s32 $0xFFFFFFFF, s21;
	p1 =	por $0x1, $0x1;
	s21 =	simm.s32 $0x0;
	v5 =	vld [tilespmem:s22+$0x0]  }
.LBB2_19:
0x8e: {  	p2 =	sne.s32 s23, $0x1;
	_ =	sdelay $0x2  }
0x8f: {  	s21 =	sadd.s32 $0x10, s21  }
0x90: {  	v6 =	vor.u32 s21, v1;
	v5 =	vshrl.u32 v5, $0xB  }
0x91: {  	vm0 =	vlt.s32 v6, v4;
	v5 =	vand.u32 $0xFF0, v5  }
0x92: {  	v5 =	vor.u32 v1, v5;
	_ =	sdelay $0x1  }
.Ltmp11:
0x93: {  	(pc) =	sbr.rel @p2 .LBB2_19-.Ltmp11, $3  }
0x94: {  	_ =	sdelay $0x1  }
0x95: {  	s22 =	sadd.s32 $0x10, s22;
	[tilespmem:v5+s11+$0x0] =	vst.idx.add.s32.msk vm0, v2  }
0x96: {  	s23 =	sadd.s32 $0xFFFFFFFF, s23;
	v5 =	vld [tilespmem:s22+$0x0]  }
.LBB2_20:
0x97: {  	_ =	sdelay $0x1  }
0x98: {  	s21 =	sadd.s32 @p1 $0x10, s21  }
0x99: {  	s20 =	smov.u32 @p1 s21  }
0x9a: {  	v6 =	vor.u32 s20, v1;
	v5 =	vshrl.u32 v5, $0xB  }
0x9b: {  	vm0 =	vlt.s32 v6, v4;
	v5 =	vand.u32 $0xFF0, v5  }
0x9c: {  	v5 =	vor.u32 v1, v5;
	_ =	sdelay $0x4  }
0x9d: {  	[tilespmem:v5+s11+$0x0] =	vst.idx.add.s32.msk vm0, v2  }
.LBB2_21:
0x9e: {  	s20 =	simm.s32 $0x18000  }
0x9f: {  	v5 =	vld [tilespmem:s20+$0x0]  }
0xa0: {  	s29 =	simm.s32 $0x18010  }
0xa1: {  	v6 =	vld [tilespmem:s29+$0x0];
	_ =	sdelay $0x2  }
0xa2: {  	(xrf0) =	vadd.scan.msk.s32 $0xffff, v5;
	_ =	sdelay $0x1  }
0xa3: {  	(xrf0) =	vadd.scan.msk.s32 $0xffff, v6;
	_ =	sdelay $0x3  }
0xa4: {  	s30 =	simm.s32 $0x18020;
	v6, _, _ =	vpop (xrf0)  }
0xa5: {  	v7 =	vld [tilespmem:s30+$0x0];
	(v2sf) =	vpush v6, $0xF  }
0xa6: {  	v6, _, _ =	vpop (xrf0)  }
0xa7: {  	(v2sf) =	vpush v6, $0xF;
	_ =	sdelay $0x2  }
0xa8: {  	s31 =	simm.s32 $0x18030;
	(xrf0) =	vadd.scan.msk.s32 $0xffff, v7  }
0xa9: {  	v5 =	vld [tilespmem:s31+$0x0];
	_ =	sdelay $0x2  }
0xaa: {  	s18 =	ssub.s32 $0xCCC, s18;
	s21 =	simm.s32 $0x0  }
0xab: {  	s23 =	simm.s32 $0x4;
	s22 =	simm.s32 $0xC;
	s24 =	simm.s32 $0x10  }
0xac: {  	s26 =	simm.s32 $0x18040;
	s25 =	simm.s32 $0x0;
	s20 =	simm.s32 $0x8;
	(xrf0) =	vadd.scan.msk.s32 $0xffff, v5;
	v5, _, _ =	vpop (xrf0)  }
.LBB2_22:
0xad: {  	v6 =	vld [tilespmem:s26+$0x0];
	p1 =	sne.s32 s24, $0x3FC;
	(v2sf) =	vpush v5, $0xF;
	s28 =	smov.u32 s24;
	s24 =	sadd.s32 $0x4, s24  }
.Ltmp12:
0xae: {  	(pc) =	sbr.rel @p1 .LBB2_22-.Ltmp12, $4  }
0xaf: {  	_ = 	snop  }
0xb0: {  	s29 =	sshra.s32 s25, $0x2;
	s25 =	smov.u32 s23;
	s30 =	spop (v2sf)  }
0xb1: {  	s23 =	smov.u32 s20;
	s20 =	smov.u32 s22;
	[smem:s29] =	sst s30  }
0xb2: {  	s26 =	sadd.s32 $0x10, s26;
	s22 =	smov.u32 s28;
	(xrf0) =	vadd.scan.msk.s32 $0xffff, v6;
	v5, _, _ =	vpop (xrf0)  }
0xb3: {  	_ =	sdelay $0x4  }
0xb4: {  	(v2sf) =	vpush v5, $0xF;
	v5, _, _ =	vpop (xrf0)  }
0xb5: {  	(v2sf) =	vpush v5, $0xF;
	_ =	sdelay $0xb  }
0xb6: {  	s24 =	spop (v2sf);
	s25 =	sshra.s32 s25, $0x2  }
0xb7: {  	s23 =	sshra.s32 s23, $0x2;
	[smem:s25] =	sst s24;
	s28 =	spop (v2sf)  }
0xb8: {  	s20 =	sshra.s32 s20, $0x2;
	[smem:s23] =	sst s28;
	s29 =	spop (v2sf)  }
0xb9: {  	s30 =	sshra.s32 s22, $0x2;
	[smem:s20] =	sst s29;
	s31 =	spop (v2sf)  }
0xba: {  	[smem:s30] =	sst s31  }
0xbb: {  	s20 =	sld [smem:$0xFF];
	_ =	sdelay $0x1  }
0xbc: {  	p1 =	por $0x0, $0x0;
	s22 =	simm.s32 $0xFF;
	s26 =	simm.s32 $0xFE  }
0xbd: {  	s24 =	simm.s32 $0xFE;
	p4 =	por !p1, !p1;
	s23 =	sadd.s32 $0x0, s20  }
0xbe: {  	s25 =	simm.s32 $0x0;
	s20 =	simm.s32 $0x0;
	p2 =	sge.s32 s23, s18  }
.LBB2_24:
0xbf: {  	s28 =	sld [smem:s26+$0x0]  }
0xc0: {  	p4 =	por !p2, !p4;
	s29 =	smov.u32 s24;
	p3 =	sne.s32 s24, $0x0  }
.Ltmp13:
0xc1: {  	s24 =	sadd.s32 $0xFFFFFFFF, s24;
	p4 =	por !p4, !p4;
	(pc) =	sbr.rel @p3 .LBB2_24-.Ltmp13, $4  }
0xc2: {  	s21 =	smov.u32 @p4 s22;
	s20 =	smov.u32 @p4 s25;
	s22 =	smov.u32 s29  }
0xc3: {  	s25 =	smov.u32 s23  }
0xc4: {  	p1 =	por p1, p2;
	s23 =	sadd.s32 s23, s28  }
0xc5: {  	s26 =	sadd.s32 $0xFFFFFFFF, s26;
	p4 =	por !p1, !p1;
	p2 =	sge.s32 s23, s18  }
.Ltmp14:
0xc6: {  	p1 =	por !p2, !p4;
	(pc) =	sbr.rel @p0 .LBB2_33-.Ltmp14, $4  }
0xc7: {  	p1 =	por !p1, !p1  }
0xc8: {  	s21 =	smov.u32 @p1 s22  }
0xc9: {  	s22 =	sshll.u32 s21, $0xF  }
0xca: {  	v5 =	vimm.s32 $0x80000000;
	s20 =	smov.u32 @p1 s25;
	s17 =	sor.u32 s17, s22  }
0xcb: {  	p1 =	sne.s32 s19, $0x1  }
.Ltmp15:
0xcc: {  	_ = 	snop;
	(pc) =	sbr.rel @!p1 .LBB2_27-.Ltmp15, $3  }
0xcd: {  	_ =	sdelay $0x1  }
0xce: {  	s22 =	sadd.s32 $0x8000, s17;
	s23 =	simm.s32 $0x8000  }
0xcf: {  	v7 =	vmov s21;
	v10 =	vimm.s32 $0x0;
	s21 =	simm.s32 $0x0;
	s19 =	sadd.s32 $0xFFFFFFFF, s19;
	p0 =	por $0x0, $0x0;
	v5 =	vmov s22;
	v6 =	vld [tilespmem:s23+$0x0]  }
0xd0: {  	_ =	sdelay $0x3  }
0xd1: {  	v8 =	vshrl.u32 v6, $0xF  }
0xd2: {  	v9 =	vor.u32 s21, v1;
	v8 =	vand.u32 $0xFF, v8  }
0xd3: {  	vm0 =	vlt.s32 v9, v4;
	vm1 =	veq.s32 v8, v7  }
0xd4: {  	vm1 =	vmand vm0, vm1  }
0xd5: {  	v8 =	vsel vm1, $0x1, v0  }
0xd6: {  	(xrf0) =	vadd.scan.msk.s32 $0xffff, v8;
	_ =	sdelay $0x5  }
0xd7: {  	v8, _, _ =	vpop (xrf0)  }
0xd8: {  	v8 =	vadd.s32 v8, v10  }
0xd9: {  	v8 =	vadd.s32 $0xFFFFFFFF, v8  }
0xda: {  	p1 =	sne.s32 s19, $0x1  }
.Ltmp16:
0xdb: {  	_ = 	snop;
	(pc) =	sbr.rel @!p1 .LBB2_29-.Ltmp16, $4  }
0xdc: {  	vm2 =	vle.s32 v5, v6;
	v9 =	vmul.f32 v6, v6;
	v11 =	vmpcnt.ones.xlane vm1  }
0xdd: {  	vm0 =	vmand vm0, vm2  }
0xde: {  	s22 =	simm.s32 $0x8010;
	v12 =	vnsel vm0, $0x0, v9;
	v9 =	vadd.s32 v10, v11;
	[tilespmem:v8+s12+$0x0] =	vst.idx.msk vm1, v6  }
0xdf: {  	s23 =	sadd.s32 $0xFFFFFFFF, s19;
	p0 =	por $0x1, $0x1;
	s19 =	simm.s32 $0x0;
	v3 =	vadd.f32 v12, v3;
	v8 =	vmov v9;
	v6 =	vld [tilespmem:s22+$0x0]  }
.LBB2_30:
0xe0: {  	p1 =	sne.s32 s23, $0x1;
	_ =	sdelay $0x3  }
0xe1: {  	s19 =	sadd.s32 $0x10, s19;
	vm0 =	vle.s32 v5, v6;
	v10 =	vmul.f32 v6, v6;
	v11 =	vshrl.u32 v6, $0xF  }
0xe2: {  	v12 =	vor.u32 s19, v1;
	v11 =	vand.u32 $0xFF, v11  }
0xe3: {  	vm1 =	vlt.s32 v12, v4;
	vm2 =	veq.s32 v11, v7  }
0xe4: {  	vm0 =	vmand vm1, vm0;
	vm1 =	vmand vm1, vm2  }
0xe5: {  	v10 =	vnsel vm0, $0x0, v10;
	v11 =	vsel vm1, $0x1, v0;
	v12 =	vmpcnt.ones.xlane vm1  }
0xe6: {  	v3 =	vadd.f32 v10, v3;
	(xrf0) =	vadd.scan.msk.s32 $0xffff, v11  }
0xe7: {  	v9 =	vadd.s32 v9, v12;
	_ =	sdelay $0x4  }
0xe8: {  	v10, _, _ =	vpop (xrf0)  }
0xe9: {  	v10 =	vadd.s32 v10, v8;
	v8 =	vmov v9  }
0xea: {  	v10 =	vadd.s32 $0xFFFFFFFF, v10;
	_ =	sdelay $0x1  }
.Ltmp17:
0xeb: {  	(pc) =	sbr.rel @p1 .LBB2_30-.Ltmp17, $3  }
0xec: {  	_ =	sdelay $0x1  }
0xed: {  	s22 =	sadd.s32 $0x10, s22;
	[tilespmem:v10+s12+$0x0] =	vst.idx.msk vm1, v6  }
0xee: {  	s23 =	sadd.s32 $0xFFFFFFFF, s23;
	v6 =	vld [tilespmem:s22+$0x0]  }
0xef: {  	v10 =	vmov v9  }
.LBB2_32:
0xf0: {  	_ =	sdelay $0x1  }
0xf1: {  	s19 =	sadd.s32 @p0 $0x10, s19  }
0xf2: {  	s21 =	smov.u32 @p0 s19;
	v9 =	vshrl.u32 v6, $0xF  }
0xf3: {  	v11 =	vor.u32 s21, v1;
	v9 =	vand.u32 $0xFF, v9  }
0xf4: {  	vm0 =	vlt.s32 v11, v4;
	vm1 =	veq.s32 v9, v7  }
0xf5: {  	vm1 =	vmand vm0, vm1  }
0xf6: {  	v4 =	vsel vm1, $0x1, v0  }
0xf7: {  	(xrf0) =	vadd.scan.msk.s32 $0xffff, v4;
	_ =	sdelay $0x5  }
0xf8: {  	v4, _, _ =	vpop (xrf0)  }
0xf9: {  	v4 =	vadd.s32 v4, v8  }
0xfa: {  	v4 =	vadd.s32 $0xFFFFFFFF, v4;
	_ =	sdelay $0x1  }
0xfb: {  	vm2 =	vle.s32 v5, v6;
	v5 =	vmul.f32 v6, v6;
	v7 =	vmpcnt.ones.xlane vm1  }
0xfc: {  	vm0 =	vmand vm0, vm2  }
0xfd: {  	v5 =	vnsel vm0, $0x0, v5;
	v7 =	vadd.s32 v10, v7  }
0xfe: {  	v3 =	vadd.f32 v5, v3;
	v5 =	vxor.u32 $0x80000000, v7;
	[tilespmem:v4+s12+$0x0] =	vst.idx.msk vm1, v6  }
.LBB2_33:
0xff: {  	(xrf0) =	vmax.scan.msk.u32 $0xffff, v5;
	_ =	sdelay $0x5  }
0x100: {  	v4, _, _ =	vpop (xrf0)  }
0x101: {  	(v2sf) =	vpush v4, $0xF;
	_ =	sdelay $0xe  }
0x102: {  	s21 =	spop (v2sf)  }
.Ltmp18:
0x103: {  	s22 =	sadd.s32 $0x8000000F, s21;
	(pc) =	sbr.rel .LBB2_34-.Ltmp18, $4  }
0x104: {  	s19 =	sshra.s32 s22, $0x1F  }
0x105: {  	s31 =	sxor.u32 $0x80000000, s21;
	s19 =	sshrl.u32 s19, $0x1C  }
0x106: {  	s21 =	simm.s32 $0x0;
	p0 =	slt.s32 s22, $0x10;
	s23 =	sadd.s32 s19, s22  }
0x107: {  	v4 =	vmov s31;
	s19 =	ssub.s32 s18, s20;
	s20 =	simm.s32 $0x0;
	s18 =	sshra.s32 s23, $0x4  }
.LBB2_37:
0x108: {  	vm0 =	vmand vm0, vm1  }
0x109: {  	v6 =	vsel vm0, $0x1, v0  }
0x10a: {  	v5 =	vadd.s32 v6, v5  }
.LBB2_38:
0x10b: {  	(xrf0) =	vadd.scan.msk.s32 $0xffff, v5;
	_ =	sdelay $0x5  }
0x10c: {  	v5, _, _ =	vpop (xrf0)  }
0x10d: {  	(v2sf) =	vpush v5, $0xF;
	_ =	sdelay $0xe  }
0x10e: {  	s23 =	spop (v2sf)  }
0x10f: {  	s21 =	sadd.s32 $0x1, s21;
	p1 =	slt.s32 s23, s19  }
0x110: {  	s22 =	simm.s32 @p1 $0x0;
	p1 =	sne.s32 s21, $0xF  }
.Ltmp19:
0x111: {  	_ = 	snop;
	(pc) =	sbr.rel @!p1 .LBB2_39-.Ltmp19, $2  }
0x112: {  	_ =	sdelay $0x2  }
0x113: {  	s20 =	sor.u32 s20, s22  }
.LBB2_34:
.Ltmp20:
0x114: {  	(pc) =	sbr.rel @p0 .LBB2_38-.Ltmp20, $2  }
0x115: {  	_ =	sdelay $0x2  }
0x116: {  	s22 =	sshrl.u32 s13, s21;
	v5 =	vimm.s32 $0x0  }
0x117: {  	s23 =	simm.s32 $0x10000  }
0x118: {  	p1 =	sne.s32 s18, $0x1;
	v7 =	vld [tilespmem:s23+$0x0]  }
.Ltmp21:
0x119: {  	_ = 	snop;
	(pc) =	sbr.rel @!p1 .LBB2_37-.Ltmp21, $4  }
0x11a: {  	s31 =	sor.u32 s17, s20  }
0x11b: {  	s24 =	sor.u32 s22, s31;
	s23 =	simm.s32 $0x0  }
0x11c: {  	v6 =	vmov s24;
	v8 =	vor.u32 s23, v1  }
0x11d: {  	v5 =	vimm.s32 $0x0;
	s25 =	simm.s32 $0x10010;
	s24 =	sadd.s32 $0xFFFFFFFF, s18;
	vm0 =	vlt.s32 v8, v4;
	vm1 =	vge.s32 v7, v6  }
.LBB2_36:
0x11e: {  	v7 =	vld [tilespmem:s25+$0x0];
	p1 =	sne.s32 s24, $0x1;
	s24 =	sadd.s32 $0xFFFFFFFF, s24;
	vm0 =	vmand vm0, vm1  }
.Ltmp22:
0x11f: {  	v8 =	vsel vm0, $0x1, v0;
	(pc) =	sbr.rel @p1 .LBB2_36-.Ltmp22, $4  }
0x120: {  	v5 =	vadd.s32 v8, v5  }
0x121: {  	s23 =	sadd.s32 $0x10, s23  }
0x122: {  	v8 =	vor.u32 s23, v1  }
0x123: {  	s25 =	sadd.s32 $0x10, s25;
	vm0 =	vlt.s32 v8, v4;
	vm1 =	vge.s32 v7, v6  }
.Ltmp23:
0x124: {  	_ = 	snop;
	(pc) =	sbr.rel .LBB2_37-.Ltmp23, $1  }
0x125: {  	_ =	sdelay $0x3  }
.LBB2_39:
.Ltmp24:
0x126: {  	(pc) =	sbr.rel @p0 .LBB2_43-.Ltmp24, $3  }
0x127: {  	_ =	sdelay $0x1  }
0x128: {  	s17 =	sor.u32 s17, s20  }
0x129: {  	v5 =	vmov s17  }
0x12a: {  	s17 =	simm.s32 $0x10000  }
0x12b: {  	p0 =	sne.s32 s18, $0x1;
	v6 =	vld [tilespmem:s17+$0x0]  }
.Ltmp25:
0x12c: {  	_ = 	snop;
	(pc) =	sbr.rel @!p0 .LBB2_42-.Ltmp25, $4  }
0x12d: {  	_ = 	snop  }
0x12e: {  	s17 =	simm.s32 $0x0  }
0x12f: {  	v7 =	vor.u32 s17, v1  }
0x130: {  	s18 =	sadd.s32 $0xFFFFFFFF, s18;
	s19 =	simm.s32 $0x10010;
	vm0 =	vlt.s32 v7, v4;
	vm1 =	vle.s32 v5, v6;
	v6 =	vmul.f32 v6, v6  }
.LBB2_41:
0x131: {  	v7 =	vld [tilespmem:s19+$0x0];
	p0 =	sne.s32 s18, $0x1;
	s18 =	sadd.s32 $0xFFFFFFFF, s18;
	vm0 =	vmand vm0, vm1  }
.Ltmp26:
0x132: {  	v6 =	vnsel vm0, $0x0, v6;
	(pc) =	sbr.rel @p0 .LBB2_41-.Ltmp26, $4  }
0x133: {  	v3 =	vadd.f32 v6, v3  }
0x134: {  	s17 =	sadd.s32 $0x10, s17  }
0x135: {  	v6 =	vor.u32 s17, v1  }
0x136: {  	s19 =	sadd.s32 $0x10, s19;
	vm0 =	vlt.s32 v6, v4;
	vm1 =	vle.s32 v5, v7;
	v6 =	vmul.f32 v7, v7  }
.LBB2_42:
0x137: {  	vm0 =	vmand vm0, vm1  }
0x138: {  	v4 =	vnsel vm0, $0x0, v6  }
0x139: {  	v3 =	vadd.f32 v4, v3  }
.LBB2_43:
0x13a: {  	_ = 	snop  }
0x13b: {  	(xrf2) =	vadd.scan.msk.f32 $0xffff, v3;
	_ =	sdelay $0x9  }
0x13c: {  	v3, _, _ =	vpop (xrf2)  }
0x13d: {  	v3 =	vbroadcast v3, $0xF;
	_ =	sdelay $0x1  }
0x13e: {  	v4 =	vshrl.u32 v3, $0x1  }
0x13f: {  	v4 =	vadd.s32 $0x1FBD1DF5, v4  }
0x140: {  	(erf) = vrcp.f32 v4;
	_ =	sdelay $0x8  }
0x141: {  	v6 =	vpop (erf)  }
0x142: {  	v6 =	vmul.f32 v6, v3;
	_ =	sdelay $0x1  }
0x143: {  	v4 =	vadd.f32 v4, v6;
	_ =	sdelay $0x1  }
0x144: {  	v4 =	vmul.f32 $5.000000000e-01, v4;
	_ =	sdelay $0x1  }
0x145: {  	(erf) = vrcp.f32 v4;
	_ =	sdelay $0x8  }
0x146: {  	v6 =	vpop (erf)  }
0x147: {  	v6 =	vmul.f32 v6, v3;
	_ =	sdelay $0x1  }
0x148: {  	v4 =	vadd.f32 v6, v4;
	_ =	sdelay $0x1  }
0x149: {  	v4 =	vmul.f32 $5.000000000e-01, v4;
	_ =	sdelay $0x1  }
0x14a: {  	(erf) = vrcp.f32 v4;
	_ =	sdelay $0x8  }
0x14b: {  	v6 =	vpop (erf)  }
0x14c: {  	v6 =	vmul.f32 v6, v3;
	_ =	sdelay $0x1  }
0x14d: {  	v4 =	vadd.f32 v6, v4;
	_ =	sdelay $0x1  }
0x14e: {  	v4 =	vmul.f32 $5.000000000e-01, v4;
	_ =	sdelay $0x1  }
0x14f: {  	(erf) = vrcp.f32 v4;
	_ =	sdelay $0x8  }
0x150: {  	v6 =	vpop (erf)  }
0x151: {  	v3 =	vmul.f32 v6, v3;
	_ =	sdelay $0x1  }
0x152: {  	v3 =	vadd.f32 v3, v4;
	_ =	sdelay $0x1  }
0x153: {  	v3 =	vmul.f32 $5.000000000e-01, v3;
	_ =	sdelay $0x1  }
0x154: {  	v3 =	vadd.f32 $9.999999970e-07, v3;
	_ =	sdelay $0x1  }
0x155: {  	(erf) = vrcp.f32 v3;
	_ =	sdelay $0x8  }
0x156: {  	s17 =	simm.s32 $0x0;
	s18 =	simm.s32 $0x40;
	v3 =	vpop (erf)  }
.LBB2_44:
0x157: {  	p0 =	sne.s32 s18, $0x1FFC0;
	v4 =	vld [tilespmem:s17+$0x0];
	_ =	sdelay $0x3  }
.Ltmp27:
0x158: {  	(pc) =	sbr.rel @p0 .LBB2_44-.Ltmp27, $4  }
0x159: {  	v6 =	vand.u32 $0x7FFFFFFF, v4;
	v4 =	vmul.f32 v4, v3  }
0x15a: {  	vm0 =	vgt.s32 v5, v6  }
0x15b: {  	v4 =	vsel vm0, $0x0, v4  }
0x15c: {  	[tilespmem:s17+$0x0] =	vst v4;
	s17 =	sshra.s32 s18, $0x2;
	s18 =	sadd.s32 $0x40, s18  }
0x15d: {  	v4 =	vld [tilespmem:s17+$0x0];
	_ =	sdelay $0x4  }
0x15e: {  	v6 =	vand.u32 $0x7FFFFFFF, v4;
	v3 =	vmul.f32 v4, v3  }
0x15f: {  	vm0 =	vgt.s32 v5, v6  }
0x160: {  	s15 =	sadd.s32 $0x1, s15;
	v3 =	vsel vm0, $0x0, v3  }
0x161: {  	s16 =	sadd.s32 s2, s16;
	p0 =	sne.s32 s15, $0x4;
	[tilespmem:s17+$0x0] =	vst v3  }
0x162: {  	[hbm4b:s16+s7] =	stream.strided.scatter [tilespmem:s4], [sflag:$0x1], $0x8000, s8, s7, $0x38;
	[tilespmem:$0x19000] =	vst v63  }
.Ltmp28:
0x163: {  	_ = 	snop;
	(pc) =	sbr.rel @p0 .LBB2_2-.Ltmp28, $4  }
.Ltmp29:
0x164: {  	_ = 	snop;
	(pc) =	sbr.rel @!p0 .LBB2_46-.Ltmp29, $4  }
0x165: {  	_ =	swait.ge [sflag:s9], $0x8000  }
0x166: {  	[sflag:s9] =	ssyncset.done $0x0  }
0x167: {  	[sflag:s9] =	ssyncadd.s32 $0xFFFF8000  }
0x168: {  	_ = 	snop  }
.LBB2_16:
.Ltmp30:
0x169: {  	(pc) =	sbr.rel .LBB2_20-.Ltmp30, $2  }
0x16a: {  	_ =	sdelay $0x2  }
0x16b: {  	s21 =	simm.s32 $0x0  }
.LBB2_27:
.Ltmp31:
0x16c: {  	(pc) =	sbr.rel .LBB2_32-.Ltmp31, $2  }
0x16d: {  	_ =	sdelay $0x2  }
0x16e: {  	s19 =	simm.s32 $0x0;
	v8 =	vimm.s32 $0x0  }
.LBB2_18:
.Ltmp32:
0x16f: {  	(pc) =	sbr.rel .LBB2_20-.Ltmp32, $2  }
0x170: {  	_ =	sdelay $0x2  }
0x171: {  	s21 =	simm.s32 $0x0  }
.LBB2_29:
.Ltmp33:
0x172: {  	(pc) =	sbr.rel .LBB2_32-.Ltmp33, $2  }
0x173: {  	_ =	sdelay $0x2  }
0x174: {  	s19 =	simm.s32 $0x0;
	v10 =	vmov v9;
	v8 =	vmov v9  }
.LBB2_47:
0x175: {  	_ =	sfence.sel $0x180000  }
0x176: {  	[bflag:$0x0] =	sbarrier.arrive $0xFFFF  }
0x177: {  	p0 =	sne.s32 s3, $0x0;
	_ =	strace $0x90000047  }
0x178: {  	s0 =	sadd.s32 @!p0 $0x100000, s0;
	[bflag:$0x2] =	sbarrier.arrive $0xFFFF  }
0x179: {  	[sflag:s0] =	ssyncadd.tile.s32 @!p0 $0x1;
	_ =	shalt  }
.Lfunc_end2:
_tile_overlayer_lowered:
.L_overlay_start_2:
0x17a: {  	(tag) =	ssettag $0x2  }
0x17b: {  	s0 =	rddreg [dreg:$0x0];
	s2 =	stileid.u32  }
0x17c: {  	s1 =	rddreg [dreg:$0x1];
	p0 =	sne.s32 s2, $0x0  }
0x17d: {  	s3 =	rddreg [dreg:$0x2];
	[bflag:$0x3] =	sbarrier.arrive $0xFFFF;
	s2 =	simm.s32 @!p0 $0x1C01  }
0x17e: {  	[timem:s3], [sflag:s2] =	dma.local @!p0 [hbm:s0], s1  }
0x17f: {  	s0 =	simm.s32 @!p0 $0x1  }
0x180: {  	_ =	swait.ge @!p0 [sflag:s0], s1  }
0x181: {  	s1 =	ssub.s32 @!p0 $0x0, s1;
	[sflag:s0] =	ssyncset.done @!p0 $0x0  }
0x182: {  	[sflag:s0] =	ssyncadd.s32 @!p0 s1  }
0x183: {  	[bflag:$0x3] =	sbarrier.arrive $0xFFFF  }
0x184: {  	_ =	shalt  }

</sc_bundles>
